<compile_context>
chip_gen: v7x
topology: tpu7x:2x2x1
jax: 0.10.2.dev20260603
libtpu: 0.0.44.dev20260713+nightly
codegen_flags: <defaults>
</compile_context>

<pallas_src>
import functools

import jax
import jax.numpy as jnp
from jax import lax
from jax.experimental import pallas as pl
from jax.experimental.pallas import tpu as pltpu
from jax.experimental.pallas import tpu_sc as plsc

_NC = 2
_NS = 16
_NW = _NC * _NS
_B = 16384
_BPW = _B // _NW
_CW = 128
_KC = _BPW // _CW
_L = 16
_VPC = _CW // _L


def _make_sc_kernel():
    mesh = plsc.VectorSubcoreMesh(core_axis_name="c", subcore_axis_name="s")

    @functools.partial(
        pl.kernel,
        mesh=mesh,
        out_type=jax.ShapeDtypeStruct((_NW * _L,), jnp.float32),
        scratch_types=[
            pltpu.VMEM((2, _KC, _CW), jnp.int32),
            pltpu.VMEM((3, _KC, _CW), jnp.float32),
            pltpu.VMEM((2, _L), jnp.float32),
            pltpu.SemaphoreType.DMA,
            pltpu.SemaphoreType.DMA,
            pltpu.SemaphoreType.DMA,
        ],
    )
    def _k(su_hbm, si_hbm, r_hbm, alpha_hbm, bu_hbm, bi_hbm, out_hbm,
           idx_v, dat_v, aa_v, sem_idx, sem_in, sem_g):
        cid = lax.axis_index("c")
        sid = lax.axis_index("s")
        wid = sid * _NC + cid

        ld_u = pltpu.async_copy(su_hbm.at[wid], idx_v.at[0], sem_idx)
        ld_i = pltpu.async_copy(si_hbm.at[wid], idx_v.at[1], sem_idx)
        ld_r = pltpu.async_copy(r_hbm.at[wid], dat_v.at[2], sem_in)
        ld_a = pltpu.async_copy(alpha_hbm, aa_v.at[0], sem_in)
        ld_u.wait()
        ld_i.wait()
        copies = []
        for k in range(_KC):
            copies.append(pltpu.async_copy(
                bu_hbm.at[idx_v.at[0, k]], dat_v.at[0, k], sem_g))
            copies.append(pltpu.async_copy(
                bi_hbm.at[idx_v.at[1, k]], dat_v.at[1, k], sem_g))
        ld_r.wait()
        ld_a.wait()
        for c in copies:
            c.wait()

        av = aa_v[0, :]
        acc = jnp.zeros((_L,), jnp.float32)
        for k in range(_KC):
            for j in range(_VPC):
                sl = pl.ds(j * _L, _L)
                d = av + dat_v[0, k, sl] + dat_v[1, k, sl] - dat_v[2, k, sl]
                acc = acc + d * d
        aa_v[1, :] = acc * (0.5 / _B)
        pltpu.sync_copy(aa_v.at[1], out_hbm.at[pl.ds(wid * _L, _L)])

    return _k


_sc_kernel = _make_sc_kernel()


def kernel(sampleU, sampleI, sampleR, alpha, betaU, betaI):
    su = sampleU.astype(jnp.int32).reshape(_NW, _KC, _CW)
    si = sampleI.astype(jnp.int32).reshape(_NW, _KC, _CW)
    r = sampleR.astype(jnp.float32).reshape(_NW, _KC, _CW)
    al = jnp.broadcast_to(alpha.astype(jnp.float32), (_L,))
    partials = _sc_kernel(su, si, r, al, betaU, betaI)
    return jnp.sum(partials)

# --- scband reference (transcript-rebuilt; emitter-appended) ---
"""Pipeline reference for scband-latent-factor-model-bias-only-42786464203598 (READ-ONLY COPY).

The authoritative reference and input builder live on the scoring server;
editing this copy changes nothing except your own understanding.
"""

import jax, jax.numpy as jnp
import numpy as np

NUM_USERS = 1000000
NUM_ITEMS = 1000000
BATCH = 16384
MU = 3.5


def setup_inputs(seed: int = 0) -> dict:
    key = jax.random.key(seed)
    k1, k2, k3, k4, k5 = jax.random.split(key, 5)
    sampleU = jax.random.randint(k1, (BATCH,), 0, NUM_USERS, dtype=jnp.int64 if jax.config.jax_enable_x64 else jnp.int32)
    sampleI = jax.random.randint(k2, (BATCH,), 0, NUM_ITEMS, dtype=jnp.int64 if jax.config.jax_enable_x64 else jnp.int32)
    sampleR = jax.random.uniform(k3, (BATCH,), dtype=jnp.float32) * 5.0
    alpha = jnp.asarray(MU, dtype=jnp.float32)
    betaU = jax.random.normal(k4, (NUM_USERS,), dtype=jnp.float32) * 0.001
    betaI = jax.random.normal(k5, (NUM_ITEMS,), dtype=jnp.float32) * 0.001
    return {"sampleU": sampleU, "sampleI": sampleI, "sampleR": sampleR,
            "alpha": alpha, "betaU": betaU, "betaI": betaI}


def reference(sampleU, sampleI, sampleR, alpha, betaU, betaI):
    # predictSample: alpha + embedding_lookup(betaU, u) + embedding_lookup(betaI, i)
    beta_u = jnp.take(betaU, sampleU, axis=0)
    beta_i = jnp.take(betaI, sampleI, axis=0)
    pred = alpha + beta_u + beta_i
    # tf.nn.l2_loss(x) = sum(x**2) / 2
    diff = pred - sampleR
    loss = jnp.sum(diff * diff) * 0.5 / sampleR.shape[0]
    return loss

if __name__ == "__main__":
    import jax
    _d = setup_inputs()
    print(jax.jit(kernel)(*tuple(_d.values())))

</pallas_src>

<mosaic_0001>
#map = affine_map<(d0, d1) -> (0, 0, 0)>
#map1 = affine_map<(d0, d1) -> (0)>
module attributes {stable_mosaic.version = 14 : i64} {
  func.func @_k(%arg0: i32, %arg1: i32, %arg2: memref<32x4x128xi32, #tpu.memory_space<hbm>>, %arg3: memref<32x4x128xi32, #tpu.memory_space<hbm>>, %arg4: memref<32x4x128xf32, #tpu.memory_space<hbm>>, %arg5: memref<16xf32, #tpu.memory_space<hbm>>, %arg6: memref<1000000xf32, #tpu.memory_space<hbm>>, %arg7: memref<1000000xf32, #tpu.memory_space<hbm>>, %arg8: memref<512xf32, #tpu.memory_space<hbm>>, %arg9: memref<2x4x128xi32, #tpu.memory_space<vmem>>, %arg10: memref<3x4x128xf32, #tpu.memory_space<vmem>>, %arg11: memref<2x16xf32, #tpu.memory_space<vmem>>, %arg12: memref<!tpu.dma_semaphore, #tpu.memory_space<semaphore_mem>>, %arg13: memref<!tpu.dma_semaphore, #tpu.memory_space<semaphore_mem>>, %arg14: memref<!tpu.dma_semaphore, #tpu.memory_space<semaphore_mem>>) attributes {dimension_semantics = [#tpu.dimension_semantics<core_parallel>, #tpu.dimension_semantics<subcore_parallel>], iteration_bounds = array<i64: 2, 16>, scalar_prefetch = 0 : i64, scratch_operands = 6 : i64, tpu.core_type = #tpu.core_type<sc_vector_subcore>, window_params = [{transform_indices = #map}, {transform_indices = #map}, {transform_indices = #map}, {transform_indices = #map1}, {transform_indices = #map1}, {transform_indices = #map1}, {transform_indices = #map1}]} {
    %mul3A = arith.constant 2 : i32
    %mul3A_0 = arith.muli %arg1, %mul3A : i32
    %add3A = arith.addi %mul3A_0, %arg0 : i32
    %dma_start3A = arith.constant 0 : i32
    %dma_start3A_1 = arith.constant 0 : i32
    %dma_start3A_2 = arith.constant 0 : i32
    %dma_start3A_3 = tpu.memref_slice %arg9[%dma_start3A, %dma_start3A_1, %dma_start3A_2] : memref<2x4x128xi32, #tpu.memory_space<vmem>> -> memref<1x4x128xi32, #tpu.memory_space<vmem>>
    %dma_start3A_4 = tpu.memref_squeeze %dma_start3A_3 : memref<1x4x128xi32, #tpu.memory_space<vmem>> -> memref<4x128xi32, #tpu.memory_space<vmem>>
    %dma_start3A_5 = arith.constant 0 : i32
    %dma_start3A_6 = arith.constant 0 : i32
    %dma_start3A_7 = tpu.memref_slice %arg2[%add3A, %dma_start3A_5, %dma_start3A_6] : memref<32x4x128xi32, #tpu.memory_space<hbm>> -> memref<1x4x128xi32, #tpu.memory_space<hbm>>
    %dma_start3A_8 = tpu.memref_squeeze %dma_start3A_7 : memref<1x4x128xi32, #tpu.memory_space<hbm>> -> memref<4x128xi32, #tpu.memory_space<hbm>>
    %dma_start3A_9 = arith.constant 0 : i32
    %dma_start3A_10 = arith.constant 0 : i32
    %dma_start3A_11 = tpu.memref_slice %arg9[%dma_start3A, %dma_start3A_9, %dma_start3A_10] : memref<2x4x128xi32, #tpu.memory_space<vmem>> -> memref<1x4x128xi32, #tpu.memory_space<vmem>>
    %dma_start3A_12 = tpu.memref_squeeze %dma_start3A_11 : memref<1x4x128xi32, #tpu.memory_space<vmem>> -> memref<4x128xi32, #tpu.memory_space<vmem>>
    %dma_start3A_13 = arith.constant 0 : i32
    %dma_start3A_14 = arith.constant 0 : i32
    %dma_start3A_15 = tpu.memref_slice %arg2[%add3A, %dma_start3A_13, %dma_start3A_14] : memref<32x4x128xi32, #tpu.memory_space<hbm>> -> memref<1x4x128xi32, #tpu.memory_space<hbm>>
    %dma_start3A_16 = tpu.memref_squeeze %dma_start3A_15 : memref<1x4x128xi32, #tpu.memory_space<hbm>> -> memref<4x128xi32, #tpu.memory_space<hbm>>
    tpu.enqueue_dma source(%dma_start3A_16 : memref<4x128xi32, #tpu.memory_space<hbm>>) target(%dma_start3A_12 : memref<4x128xi32, #tpu.memory_space<vmem>>) target_semaphore(%arg12 : memref<!tpu.dma_semaphore, #tpu.memory_space<semaphore_mem>>)
    %dma_start3A_17 = arith.constant 1 : i32
    %dma_start3A_18 = arith.constant 0 : i32
    %dma_start3A_19 = arith.constant 0 : i32
    %dma_start3A_20 = tpu.memref_slice %arg9[%dma_start3A_17, %dma_start3A_18, %dma_start3A_19] : memref<2x4x128xi32, #tpu.memory_space<vmem>> -> memref<1x4x128xi32, #tpu.memory_space<vmem>>
    %dma_start3A_21 = tpu.memref_squeeze %dma_start3A_20 : memref<1x4x128xi32, #tpu.memory_space<vmem>> -> memref<4x128xi32, #tpu.memory_space<vmem>>
    %dma_start3A_22 = arith.constant 0 : i32
    %dma_start3A_23 = arith.constant 0 : i32
    %dma_start3A_24 = tpu.memref_slice %arg3[%add3A, %dma_start3A_22, %dma_start3A_23] : memref<32x4x128xi32, #tpu.memory_space<hbm>> -> memref<1x4x128xi32, #tpu.memory_space<hbm>>
    %dma_start3A_25 = tpu.memref_squeeze %dma_start3A_24 : memref<1x4x128xi32, #tpu.memory_space<hbm>> -> memref<4x128xi32, #tpu.memory_space<hbm>>
    %dma_start3A_26 = arith.constant 0 : i32
    %dma_start3A_27 = arith.constant 0 : i32
    %dma_start3A_28 = tpu.memref_slice %arg9[%dma_start3A_17, %dma_start3A_26, %dma_start3A_27] : memref<2x4x128xi32, #tpu.memory_space<vmem>> -> memref<1x4x128xi32, #tpu.memory_space<vmem>>
    %dma_start3A_29 = tpu.memref_squeeze %dma_start3A_28 : memref<1x4x128xi32, #tpu.memory_space<vmem>> -> memref<4x128xi32, #tpu.memory_space<vmem>>
    %dma_start3A_30 = arith.constant 0 : i32
    %dma_start3A_31 = arith.constant 0 : i32
    %dma_start3A_32 = tpu.memref_slice %arg3[%add3A, %dma_start3A_30, %dma_start3A_31] : memref<32x4x128xi32, #tpu.memory_space<hbm>> -> memref<1x4x128xi32, #tpu.memory_space<hbm>>
    %dma_start3A_33 = tpu.memref_squeeze %dma_start3A_32 : memref<1x4x128xi32, #tpu.memory_space<hbm>> -> memref<4x128xi32, #tpu.memory_space<hbm>>
    tpu.enqueue_dma source(%dma_start3A_33 : memref<4x128xi32, #tpu.memory_space<hbm>>) target(%dma_start3A_29 : memref<4x128xi32, #tpu.memory_space<vmem>>) target_semaphore(%arg12 : memref<!tpu.dma_semaphore, #tpu.memory_space<semaphore_mem>>)
    %dma_start3A_34 = arith.constant 2 : i32
    %dma_start3A_35 = arith.constant 0 : i32
    %dma_start3A_36 = arith.constant 0 : i32
    %dma_start3A_37 = tpu.memref_slice %arg10[%dma_start3A_34, %dma_start3A_35, %dma_start3A_36] : memref<3x4x128xf32, #tpu.memory_space<vmem>> -> memref<1x4x128xf32, #tpu.memory_space<vmem>>
    %dma_start3A_38 = tpu.memref_squeeze %dma_start3A_37 : memref<1x4x128xf32, #tpu.memory_space<vmem>> -> memref<4x128xf32, #tpu.memory_space<vmem>>
    %dma_start3A_39 = arith.constant 0 : i32
    %dma_start3A_40 = arith.constant 0 : i32
    %dma_start3A_41 = tpu.memref_slice %arg4[%add3A, %dma_start3A_39, %dma_start3A_40] : memref<32x4x128xf32, #tpu.memory_space<hbm>> -> memref<1x4x128xf32, #tpu.memory_space<hbm>>
    %dma_start3A_42 = tpu.memref_squeeze %dma_start3A_41 : memref<1x4x128xf32, #tpu.memory_space<hbm>> -> memref<4x128xf32, #tpu.memory_space<hbm>>
    %dma_start3A_43 = arith.constant 0 : i32
    %dma_start3A_44 = arith.constant 0 : i32
    %dma_start3A_45 = tpu.memref_slice %arg10[%dma_start3A_34, %dma_start3A_43, %dma_start3A_44] : memref<3x4x128xf32, #tpu.memory_space<vmem>> -> memref<1x4x128xf32, #tpu.memory_space<vmem>>
    %dma_start3A_46 = tpu.memref_squeeze %dma_start3A_45 : memref<1x4x128xf32, #tpu.memory_space<vmem>> -> memref<4x128xf32, #tpu.memory_space<vmem>>
    %dma_start3A_47 = arith.constant 0 : i32
    %dma_start3A_48 = arith.constant 0 : i32
    %dma_start3A_49 = tpu.memref_slice %arg4[%add3A, %dma_start3A_47, %dma_start3A_48] : memref<32x4x128xf32, #tpu.memory_space<hbm>> -> memref<1x4x128xf32, #tpu.memory_space<hbm>>
    %dma_start3A_50 = tpu.memref_squeeze %dma_start3A_49 : memref<1x4x128xf32, #tpu.memory_space<hbm>> -> memref<4x128xf32, #tpu.memory_space<hbm>>
    tpu.enqueue_dma source(%dma_start3A_50 : memref<4x128xf32, #tpu.memory_space<hbm>>) target(%dma_start3A_46 : memref<4x128xf32, #tpu.memory_space<vmem>>) target_semaphore(%arg13 : memref<!tpu.dma_semaphore, #tpu.memory_space<semaphore_mem>>)
    %dma_start3A_51 = arith.constant 0 : i32
    %dma_start3A_52 = arith.constant 0 : i32
    %dma_start3A_53 = tpu.memref_slice %arg11[%dma_start3A_51, %dma_start3A_52] : memref<2x16xf32, #tpu.memory_space<vmem>> -> memref<1x16xf32, #tpu.memory_space<vmem>>
    %dma_start3A_54 = tpu.memref_squeeze %dma_start3A_53 : memref<1x16xf32, #tpu.memory_space<vmem>> -> memref<16xf32, #tpu.memory_space<vmem>>
    %dma_start3A_55 = arith.constant 0 : i32
    %dma_start3A_56 = tpu.memref_slice %arg11[%dma_start3A_51, %dma_start3A_55] : memref<2x16xf32, #tpu.memory_space<vmem>> -> memref<1x16xf32, #tpu.memory_space<vmem>>
    %dma_start3A_57 = tpu.memref_squeeze %dma_start3A_56 : memref<1x16xf32, #tpu.memory_space<vmem>> -> memref<16xf32, #tpu.memory_space<vmem>>
    tpu.enqueue_dma source(%arg5 : memref<16xf32, #tpu.memory_space<hbm>>) target(%dma_start3A_57 : memref<16xf32, #tpu.memory_space<vmem>>) target_semaphore(%arg13 : memref<!tpu.dma_semaphore, #tpu.memory_space<semaphore_mem>>)
    %dma_wait3A = arith.constant 0 : i32
    %dma_wait3A_58 = arith.constant 0 : i32
    %dma_wait3A_59 = arith.constant 0 : i32
    %dma_wait3A_60 = tpu.memref_slice %arg9[%dma_wait3A, %dma_wait3A_58, %dma_wait3A_59] : memref<2x4x128xi32, #tpu.memory_space<vmem>> -> memref<1x4x128xi32, #tpu.memory_space<vmem>>
    %dma_wait3A_61 = tpu.memref_squeeze %dma_wait3A_60 : memref<1x4x128xi32, #tpu.memory_space<vmem>> -> memref<4x128xi32, #tpu.memory_space<vmem>>
    %dma_wait3A_62 = arith.constant 0 : i32
    %dma_wait3A_63 = arith.constant 0 : i32
    %dma_wait3A_64 = tpu.memref_slice %arg2[%add3A, %dma_wait3A_62, %dma_wait3A_63] : memref<32x4x128xi32, #tpu.memory_space<hbm>> -> memref<1x4x128xi32, #tpu.memory_space<hbm>>
    %dma_wait3A_65 = tpu.memref_squeeze %dma_wait3A_64 : memref<1x4x128xi32, #tpu.memory_space<hbm>> -> memref<4x128xi32, #tpu.memory_space<hbm>>
    %dma_wait3A_66 = arith.constant 0 : i32
    %dma_wait3A_67 = arith.constant 0 : i32
    %dma_wait3A_68 = tpu.memref_slice %arg9[%dma_wait3A, %dma_wait3A_66, %dma_wait3A_67] : memref<2x4x128xi32, #tpu.memory_space<vmem>> -> memref<1x4x128xi32, #tpu.memory_space<vmem>>
    %dma_wait3A_69 = tpu.memref_squeeze %dma_wait3A_68 : memref<1x4x128xi32, #tpu.memory_space<vmem>> -> memref<4x128xi32, #tpu.memory_space<vmem>>
    %dma_wait3A_70 = arith.constant 0 : i32
    %dma_wait3A_71 = arith.constant 0 : i32
    %dma_wait3A_72 = tpu.memref_slice %arg2[%add3A, %dma_wait3A_70, %dma_wait3A_71] : memref<32x4x128xi32, #tpu.memory_space<hbm>> -> memref<1x4x128xi32, #tpu.memory_space<hbm>>
    %dma_wait3A_73 = tpu.memref_squeeze %dma_wait3A_72 : memref<1x4x128xi32, #tpu.memory_space<hbm>> -> memref<4x128xi32, #tpu.memory_space<hbm>>
    tpu.wait_dma2 semaphore(%arg12 : memref<!tpu.dma_semaphore, #tpu.memory_space<semaphore_mem>>) src(%dma_wait3A_73 : memref<4x128xi32, #tpu.memory_space<hbm>>) dst(%dma_wait3A_69 : memref<4x128xi32, #tpu.memory_space<vmem>>)
    %dma_wait3A_74 = arith.constant 1 : i32
    %dma_wait3A_75 = arith.constant 0 : i32
    %dma_wait3A_76 = arith.constant 0 : i32
    %dma_wait3A_77 = tpu.memref_slice %arg9[%dma_wait3A_74, %dma_wait3A_75, %dma_wait3A_76] : memref<2x4x128xi32, #tpu.memory_space<vmem>> -> memref<1x4x128xi32, #tpu.memory_space<vmem>>
    %dma_wait3A_78 = tpu.memref_squeeze %dma_wait3A_77 : memref<1x4x128xi32, #tpu.memory_space<vmem>> -> memref<4x128xi32, #tpu.memory_space<vmem>>
    %dma_wait3A_79 = arith.constant 0 : i32
    %dma_wait3A_80 = arith.constant 0 : i32
    %dma_wait3A_81 = tpu.memref_slice %arg3[%add3A, %dma_wait3A_79, %dma_wait3A_80] : memref<32x4x128xi32, #tpu.memory_space<hbm>> -> memref<1x4x128xi32, #tpu.memory_space<hbm>>
    %dma_wait3A_82 = tpu.memref_squeeze %dma_wait3A_81 : memref<1x4x128xi32, #tpu.memory_space<hbm>> -> memref<4x128xi32, #tpu.memory_space<hbm>>
    %dma_wait3A_83 = arith.constant 0 : i32
    %dma_wait3A_84 = arith.constant 0 : i32
    %dma_wait3A_85 = tpu.memref_slice %arg9[%dma_wait3A_74, %dma_wait3A_83, %dma_wait3A_84] : memref<2x4x128xi32, #tpu.memory_space<vmem>> -> memref<1x4x128xi32, #tpu.memory_space<vmem>>
    %dma_wait3A_86 = tpu.memref_squeeze %dma_wait3A_85 : memref<1x4x128xi32, #tpu.memory_space<vmem>> -> memref<4x128xi32, #tpu.memory_space<vmem>>
    %dma_wait3A_87 = arith.constant 0 : i32
    %dma_wait3A_88 = arith.constant 0 : i32
    %dma_wait3A_89 = tpu.memref_slice %arg3[%add3A, %dma_wait3A_87, %dma_wait3A_88] : memref<32x4x128xi32, #tpu.memory_space<hbm>> -> memref<1x4x128xi32, #tpu.memory_space<hbm>>
    %dma_wait3A_90 = tpu.memref_squeeze %dma_wait3A_89 : memref<1x4x128xi32, #tpu.memory_space<hbm>> -> memref<4x128xi32, #tpu.memory_space<hbm>>
    tpu.wait_dma2 semaphore(%arg12 : memref<!tpu.dma_semaphore, #tpu.memory_space<semaphore_mem>>) src(%dma_wait3A_90 : memref<4x128xi32, #tpu.memory_space<hbm>>) dst(%dma_wait3A_86 : memref<4x128xi32, #tpu.memory_space<vmem>>)
    %dma_start3A_91 = arith.constant 0 : i32
    %dma_start3A_92 = arith.constant 0 : i32
    %dma_start3A_93 = arith.constant 0 : i32
    %dma_start3A_94 = arith.constant 0 : i32
    %dma_start3A_95 = arith.constant 0 : i32
    %dma_start3A_96 = tpu.memref_slice %arg10[%dma_start3A_93, %dma_start3A_94, %dma_start3A_95] : memref<3x4x128xf32, #tpu.memory_space<vmem>> -> memref<1x1x128xf32, #tpu.memory_space<vmem>>
    %dma_start3A_97 = tpu.memref_squeeze %dma_start3A_96 : memref<1x1x128xf32, #tpu.memory_space<vmem>> -> memref<128xf32, #tpu.memory_space<vmem>>
    %dma_start3A_98 = arith.constant 0 : i32
    %dma_start3A_99 = tpu.memref_slice %arg9[%dma_start3A_91, %dma_start3A_92, %dma_start3A_98] : memref<2x4x128xi32, #tpu.memory_space<vmem>> -> memref<1x1x128xi32, #tpu.memory_space<vmem>>
    %dma_start3A_100 = tpu.memref_squeeze %dma_start3A_99 : memref<1x1x128xi32, #tpu.memory_space<vmem>> -> memref<128xi32, #tpu.memory_space<vmem>>
    %dma_start3A_101 = arith.constant 0 : i32
    %dma_start3A_102 = tpu.memref_slice %arg6[%dma_start3A_101] : memref<1000000xf32, #tpu.memory_space<hbm>> -> memref<1000000xf32, #tpu.memory_space<hbm>>
    tpu.enqueue_indirect_dma source(%dma_start3A_102 : memref<1000000xf32, #tpu.memory_space<hbm>>) target(%dma_start3A_97 : memref<128xf32, #tpu.memory_space<vmem>>) offsets(%dma_start3A_100 : memref<128xi32, #tpu.memory_space<vmem>>) semaphore(%arg14 : memref<!tpu.dma_semaphore, #tpu.memory_space<semaphore_mem>>)
    %dma_start3A_103 = arith.constant 1 : i32
    %dma_start3A_104 = arith.constant 0 : i32
    %dma_start3A_105 = arith.constant 1 : i32
    %dma_start3A_106 = arith.constant 0 : i32
    %dma_start3A_107 = arith.constant 0 : i32
    %dma_start3A_108 = tpu.memref_slice %arg10[%dma_start3A_105, %dma_start3A_106, %dma_start3A_107] : memref<3x4x128xf32, #tpu.memory_space<vmem>> -> memref<1x1x128xf32, #tpu.memory_space<vmem>>
    %dma_start3A_109 = tpu.memref_squeeze %dma_start3A_108 : memref<1x1x128xf32, #tpu.memory_space<vmem>> -> memref<128xf32, #tpu.memory_space<vmem>>
    %dma_start3A_110 = arith.constant 0 : i32
    %dma_start3A_111 = tpu.memref_slice %arg9[%dma_start3A_103, %dma_start3A_104, %dma_start3A_110] : memref<2x4x128xi32, #tpu.memory_space<vmem>> -> memref<1x1x128xi32, #tpu.memory_space<vmem>>
    %dma_start3A_112 = tpu.memref_squeeze %dma_start3A_111 : memref<1x1x128xi32, #tpu.memory_space<vmem>> -> memref<128xi32, #tpu.memory_space<vmem>>
    %dma_start3A_113 = arith.constant 0 : i32
    %dma_start3A_114 = tpu.memref_slice %arg7[%dma_start3A_113] : memref<1000000xf32, #tpu.memory_space<hbm>> -> memref<1000000xf32, #tpu.memory_space<hbm>>
    tpu.enqueue_indirect_dma source(%dma_start3A_114 : memref<1000000xf32, #tpu.memory_space<hbm>>) target(%dma_start3A_109 : memref<128xf32, #tpu.memory_space<vmem>>) offsets(%dma_start3A_112 : memref<128xi32, #tpu.memory_space<vmem>>) semaphore(%arg14 : memref<!tpu.dma_semaphore, #tpu.memory_space<semaphore_mem>>)
    %dma_start3A_115 = arith.constant 0 : i32
    %dma_start3A_116 = arith.constant 1 : i32
    %dma_start3A_117 = arith.constant 0 : i32
    %dma_start3A_118 = arith.constant 1 : i32
    %dma_start3A_119 = arith.constant 0 : i32
    %dma_start3A_120 = tpu.memref_slice %arg10[%dma_start3A_117, %dma_start3A_118, %dma_start3A_119] : memref<3x4x128xf32, #tpu.memory_space<vmem>> -> memref<1x1x128xf32, #tpu.memory_space<vmem>>
    %dma_start3A_121 = tpu.memref_squeeze %dma_start3A_120 : memref<1x1x128xf32, #tpu.memory_space<vmem>> -> memref<128xf32, #tpu.memory_space<vmem>>
    %dma_start3A_122 = arith.constant 0 : i32
    %dma_start3A_123 = tpu.memref_slice %arg9[%dma_start3A_115, %dma_start3A_116, %dma_start3A_122] : memref<2x4x128xi32, #tpu.memory_space<vmem>> -> memref<1x1x128xi32, #tpu.memory_space<vmem>>
    %dma_start3A_124 = tpu.memref_squeeze %dma_start3A_123 : memref<1x1x128xi32, #tpu.memory_space<vmem>> -> memref<128xi32, #tpu.memory_space<vmem>>
    %dma_start3A_125 = arith.constant 0 : i32
    %dma_start3A_126 = tpu.memref_slice %arg6[%dma_start3A_125] : memref<1000000xf32, #tpu.memory_space<hbm>> -> memref<1000000xf32, #tpu.memory_space<hbm>>
    tpu.enqueue_indirect_dma source(%dma_start3A_126 : memref<1000000xf32, #tpu.memory_space<hbm>>) target(%dma_start3A_121 : memref<128xf32, #tpu.memory_space<vmem>>) offsets(%dma_start3A_124 : memref<128xi32, #tpu.memory_space<vmem>>) semaphore(%arg14 : memref<!tpu.dma_semaphore, #tpu.memory_space<semaphore_mem>>)
    %dma_start3A_127 = arith.constant 1 : i32
    %dma_start3A_128 = arith.constant 1 : i32
    %dma_start3A_129 = arith.constant 1 : i32
    %dma_start3A_130 = arith.constant 1 : i32
    %dma_start3A_131 = arith.constant 0 : i32
    %dma_start3A_132 = tpu.memref_slice %arg10[%dma_start3A_129, %dma_start3A_130, %dma_start3A_131] : memref<3x4x128xf32, #tpu.memory_space<vmem>> -> memref<1x1x128xf32, #tpu.memory_space<vmem>>
    %dma_start3A_133 = tpu.memref_squeeze %dma_start3A_132 : memref<1x1x128xf32, #tpu.memory_space<vmem>> -> memref<128xf32, #tpu.memory_space<vmem>>
    %dma_start3A_134 = arith.constant 0 : i32
    %dma_start3A_135 = tpu.memref_slice %arg9[%dma_start3A_127, %dma_start3A_128, %dma_start3A_134] : memref<2x4x128xi32, #tpu.memory_space<vmem>> -> memref<1x1x128xi32, #tpu.memory_space<vmem>>
    %dma_start3A_136 = tpu.memref_squeeze %dma_start3A_135 : memref<1x1x128xi32, #tpu.memory_space<vmem>> -> memref<128xi32, #tpu.memory_space<vmem>>
    %dma_start3A_137 = arith.constant 0 : i32
    %dma_start3A_138 = tpu.memref_slice %arg7[%dma_start3A_137] : memref<1000000xf32, #tpu.memory_space<hbm>> -> memref<1000000xf32, #tpu.memory_space<hbm>>
    tpu.enqueue_indirect_dma source(%dma_start3A_138 : memref<1000000xf32, #tpu.memory_space<hbm>>) target(%dma_start3A_133 : memref<128xf32, #tpu.memory_space<vmem>>) offsets(%dma_start3A_136 : memref<128xi32, #tpu.memory_space<vmem>>) semaphore(%arg14 : memref<!tpu.dma_semaphore, #tpu.memory_space<semaphore_mem>>)
    %dma_start3A_139 = arith.constant 0 : i32
    %dma_start3A_140 = arith.constant 2 : i32
    %dma_start3A_141 = arith.constant 0 : i32
    %dma_start3A_142 = arith.constant 2 : i32
    %dma_start3A_143 = arith.constant 0 : i32
    %dma_start3A_144 = tpu.memref_slice %arg10[%dma_start3A_141, %dma_start3A_142, %dma_start3A_143] : memref<3x4x128xf32, #tpu.memory_space<vmem>> -> memref<1x1x128xf32, #tpu.memory_space<vmem>>
    %dma_start3A_145 = tpu.memref_squeeze %dma_start3A_144 : memref<1x1x128xf32, #tpu.memory_space<vmem>> -> memref<128xf32, #tpu.memory_space<vmem>>
    %dma_start3A_146 = arith.constant 0 : i32
    %dma_start3A_147 = tpu.memref_slice %arg9[%dma_start3A_139, %dma_start3A_140, %dma_start3A_146] : memref<2x4x128xi32, #tpu.memory_space<vmem>> -> memref<1x1x128xi32, #tpu.memory_space<vmem>>
    %dma_start3A_148 = tpu.memref_squeeze %dma_start3A_147 : memref<1x1x128xi32, #tpu.memory_space<vmem>> -> memref<128xi32, #tpu.memory_space<vmem>>
    %dma_start3A_149 = arith.constant 0 : i32
    %dma_start3A_150 = tpu.memref_slice %arg6[%dma_start3A_149] : memref<1000000xf32, #tpu.memory_space<hbm>> -> memref<1000000xf32, #tpu.memory_space<hbm>>
    tpu.enqueue_indirect_dma source(%dma_start3A_150 : memref<1000000xf32, #tpu.memory_space<hbm>>) target(%dma_start3A_145 : memref<128xf32, #tpu.memory_space<vmem>>) offsets(%dma_start3A_148 : memref<128xi32, #tpu.memory_space<vmem>>) semaphore(%arg14 : memref<!tpu.dma_semaphore, #tpu.memory_space<semaphore_mem>>)
    %dma_start3A_151 = arith.constant 1 : i32
    %dma_start3A_152 = arith.constant 2 : i32
    %dma_start3A_153 = arith.constant 1 : i32
    %dma_start3A_154 = arith.constant 2 : i32
    %dma_start3A_155 = arith.constant 0 : i32
    %dma_start3A_156 = tpu.memref_slice %arg10[%dma_start3A_153, %dma_start3A_154, %dma_start3A_155] : memref<3x4x128xf32, #tpu.memory_space<vmem>> -> memref<1x1x128xf32, #tpu.memory_space<vmem>>
    %dma_start3A_157 = tpu.memref_squeeze %dma_start3A_156 : memref<1x1x128xf32, #tpu.memory_space<vmem>> -> memref<128xf32, #tpu.memory_space<vmem>>
    %dma_start3A_158 = arith.constant 0 : i32
    %dma_start3A_159 = tpu.memref_slice %arg9[%dma_start3A_151, %dma_start3A_152, %dma_start3A_158] : memref<2x4x128xi32, #tpu.memory_space<vmem>> -> memref<1x1x128xi32, #tpu.memory_space<vmem>>
    %dma_start3A_160 = tpu.memref_squeeze %dma_start3A_159 : memref<1x1x128xi32, #tpu.memory_space<vmem>> -> memref<128xi32, #tpu.memory_space<vmem>>
    %dma_start3A_161 = arith.constant 0 : i32
    %dma_start3A_162 = tpu.memref_slice %arg7[%dma_start3A_161] : memref<1000000xf32, #tpu.memory_space<hbm>> -> memref<1000000xf32, #tpu.memory_space<hbm>>
    tpu.enqueue_indirect_dma source(%dma_start3A_162 : memref<1000000xf32, #tpu.memory_space<hbm>>) target(%dma_start3A_157 : memref<128xf32, #tpu.memory_space<vmem>>) offsets(%dma_start3A_160 : memref<128xi32, #tpu.memory_space<vmem>>) semaphore(%arg14 : memref<!tpu.dma_semaphore, #tpu.memory_space<semaphore_mem>>)
    %dma_start3A_163 = arith.constant 0 : i32
    %dma_start3A_164 = arith.constant 3 : i32
    %dma_start3A_165 = arith.constant 0 : i32
    %dma_start3A_166 = arith.constant 3 : i32
    %dma_start3A_167 = arith.constant 0 : i32
    %dma_start3A_168 = tpu.memref_slice %arg10[%dma_start3A_165, %dma_start3A_166, %dma_start3A_167] : memref<3x4x128xf32, #tpu.memory_space<vmem>> -> memref<1x1x128xf32, #tpu.memory_space<vmem>>
    %dma_start3A_169 = tpu.memref_squeeze %dma_start3A_168 : memref<1x1x128xf32, #tpu.memory_space<vmem>> -> memref<128xf32, #tpu.memory_space<vmem>>
    %dma_start3A_170 = arith.constant 0 : i32
    %dma_start3A_171 = tpu.memref_slice %arg9[%dma_start3A_163, %dma_start3A_164, %dma_start3A_170] : memref<2x4x128xi32, #tpu.memory_space<vmem>> -> memref<1x1x128xi32, #tpu.memory_space<vmem>>
    %dma_start3A_172 = tpu.memref_squeeze %dma_start3A_171 : memref<1x1x128xi32, #tpu.memory_space<vmem>> -> memref<128xi32, #tpu.memory_space<vmem>>
    %dma_start3A_173 = arith.constant 0 : i32
    %dma_start3A_174 = tpu.memref_slice %arg6[%dma_start3A_173] : memref<1000000xf32, #tpu.memory_space<hbm>> -> memref<1000000xf32, #tpu.memory_space<hbm>>
    tpu.enqueue_indirect_dma source(%dma_start3A_174 : memref<1000000xf32, #tpu.memory_space<hbm>>) target(%dma_start3A_169 : memref<128xf32, #tpu.memory_space<vmem>>) offsets(%dma_start3A_172 : memref<128xi32, #tpu.memory_space<vmem>>) semaphore(%arg14 : memref<!tpu.dma_semaphore, #tpu.memory_space<semaphore_mem>>)
    %dma_start3A_175 = arith.constant 1 : i32
    %dma_start3A_176 = arith.constant 3 : i32
    %dma_start3A_177 = arith.constant 1 : i32
    %dma_start3A_178 = arith.constant 3 : i32
    %dma_start3A_179 = arith.constant 0 : i32
    %dma_start3A_180 = tpu.memref_slice %arg10[%dma_start3A_177, %dma_start3A_178, %dma_start3A_179] : memref<3x4x128xf32, #tpu.memory_space<vmem>> -> memref<1x1x128xf32, #tpu.memory_space<vmem>>
    %dma_start3A_181 = tpu.memref_squeeze %dma_start3A_180 : memref<1x1x128xf32, #tpu.memory_space<vmem>> -> memref<128xf32, #tpu.memory_space<vmem>>
    %dma_start3A_182 = arith.constant 0 : i32
    %dma_start3A_183 = tpu.memref_slice %arg9[%dma_start3A_175, %dma_start3A_176, %dma_start3A_182] : memref<2x4x128xi32, #tpu.memory_space<vmem>> -> memref<1x1x128xi32, #tpu.memory_space<vmem>>
    %dma_start3A_184 = tpu.memref_squeeze %dma_start3A_183 : memref<1x1x128xi32, #tpu.memory_space<vmem>> -> memref<128xi32, #tpu.memory_space<vmem>>
    %dma_start3A_185 = arith.constant 0 : i32
    %dma_start3A_186 = tpu.memref_slice %arg7[%dma_start3A_185] : memref<1000000xf32, #tpu.memory_space<hbm>> -> memref<1000000xf32, #tpu.memory_space<hbm>>
    tpu.enqueue_indirect_dma source(%dma_start3A_186 : memref<1000000xf32, #tpu.memory_space<hbm>>) target(%dma_start3A_181 : memref<128xf32, #tpu.memory_space<vmem>>) offsets(%dma_start3A_184 : memref<128xi32, #tpu.memory_space<vmem>>) semaphore(%arg14 : memref<!tpu.dma_semaphore, #tpu.memory_space<semaphore_mem>>)
    %dma_wait3A_187 = arith.constant 2 : i32
    %dma_wait3A_188 = arith.constant 0 : i32
    %dma_wait3A_189 = arith.constant 0 : i32
    %dma_wait3A_190 = tpu.memref_slice %arg10[%dma_wait3A_187, %dma_wait3A_188, %dma_wait3A_189] : memref<3x4x128xf32, #tpu.memory_space<vmem>> -> memref<1x4x128xf32, #tpu.memory_space<vmem>>
    %dma_wait3A_191 = tpu.memref_squeeze %dma_wait3A_190 : memref<1x4x128xf32, #tpu.memory_space<vmem>> -> memref<4x128xf32, #tpu.memory_space<vmem>>
    %dma_wait3A_192 = arith.constant 0 : i32
    %dma_wait3A_193 = arith.constant 0 : i32
    %dma_wait3A_194 = tpu.memref_slice %arg4[%add3A, %dma_wait3A_192, %dma_wait3A_193] : memref<32x4x128xf32, #tpu.memory_space<hbm>> -> memref<1x4x128xf32, #tpu.memory_space<hbm>>
    %dma_wait3A_195 = tpu.memref_squeeze %dma_wait3A_194 : memref<1x4x128xf32, #tpu.memory_space<hbm>> -> memref<4x128xf32, #tpu.memory_space<hbm>>
    %dma_wait3A_196 = arith.constant 0 : i32
    %dma_wait3A_197 = arith.constant 0 : i32
    %dma_wait3A_198 = tpu.memref_slice %arg10[%dma_wait3A_187, %dma_wait3A_196, %dma_wait3A_197] : memref<3x4x128xf32, #tpu.memory_space<vmem>> -> memref<1x4x128xf32, #tpu.memory_space<vmem>>
    %dma_wait3A_199 = tpu.memref_squeeze %dma_wait3A_198 : memref<1x4x128xf32, #tpu.memory_space<vmem>> -> memref<4x128xf32, #tpu.memory_space<vmem>>
    %dma_wait3A_200 = arith.constant 0 : i32
    %dma_wait3A_201 = arith.constant 0 : i32
    %dma_wait3A_202 = tpu.memref_slice %arg4[%add3A, %dma_wait3A_200, %dma_wait3A_201] : memref<32x4x128xf32, #tpu.memory_space<hbm>> -> memref<1x4x128xf32, #tpu.memory_space<hbm>>
    %dma_wait3A_203 = tpu.memref_squeeze %dma_wait3A_202 : memref<1x4x128xf32, #tpu.memory_space<hbm>> -> memref<4x128xf32, #tpu.memory_space<hbm>>
    tpu.wait_dma2 semaphore(%arg13 : memref<!tpu.dma_semaphore, #tpu.memory_space<semaphore_mem>>) src(%dma_wait3A_203 : memref<4x128xf32, #tpu.memory_space<hbm>>) dst(%dma_wait3A_199 : memref<4x128xf32, #tpu.memory_space<vmem>>)
    %dma_wait3A_204 = arith.constant 0 : i32
    %dma_wait3A_205 = arith.constant 0 : i32
    %dma_wait3A_206 = tpu.memref_slice %arg11[%dma_wait3A_204, %dma_wait3A_205] : memref<2x16xf32, #tpu.memory_space<vmem>> -> memref<1x16xf32, #tpu.memory_space<vmem>>
    %dma_wait3A_207 = tpu.memref_squeeze %dma_wait3A_206 : memref<1x16xf32, #tpu.memory_space<vmem>> -> memref<16xf32, #tpu.memory_space<vmem>>
    %dma_wait3A_208 = arith.constant 0 : i32
    %dma_wait3A_209 = tpu.memref_slice %arg11[%dma_wait3A_204, %dma_wait3A_208] : memref<2x16xf32, #tpu.memory_space<vmem>> -> memref<1x16xf32, #tpu.memory_space<vmem>>
    %dma_wait3A_210 = tpu.memref_squeeze %dma_wait3A_209 : memref<1x16xf32, #tpu.memory_space<vmem>> -> memref<16xf32, #tpu.memory_space<vmem>>
    tpu.wait_dma2 semaphore(%arg13 : memref<!tpu.dma_semaphore, #tpu.memory_space<semaphore_mem>>) src(%arg5 : memref<16xf32, #tpu.memory_space<hbm>>) dst(%dma_wait3A_210 : memref<16xf32, #tpu.memory_space<vmem>>)
    %dma_wait3A_211 = arith.constant 0 : i32
    %dma_wait3A_212 = arith.constant 0 : i32
    %dma_wait3A_213 = arith.constant 0 : i32
    %dma_wait3A_214 = arith.constant 0 : i32
    %dma_wait3A_215 = arith.constant 0 : i32
    %dma_wait3A_216 = tpu.memref_slice %arg10[%dma_wait3A_213, %dma_wait3A_214, %dma_wait3A_215] : memref<3x4x128xf32, #tpu.memory_space<vmem>> -> memref<1x1x128xf32, #tpu.memory_space<vmem>>
    %dma_wait3A_217 = tpu.memref_squeeze %dma_wait3A_216 : memref<1x1x128xf32, #tpu.memory_space<vmem>> -> memref<128xf32, #tpu.memory_space<vmem>>
    %dma_wait3A_218 = arith.constant 0 : i32
    %dma_wait3A_219 = tpu.memref_slice %arg9[%dma_wait3A_211, %dma_wait3A_212, %dma_wait3A_218] : memref<2x4x128xi32, #tpu.memory_space<vmem>> -> memref<1x1x128xi32, #tpu.memory_space<vmem>>
    %dma_wait3A_220 = tpu.memref_squeeze %dma_wait3A_219 : memref<1x1x128xi32, #tpu.memory_space<vmem>> -> memref<128xi32, #tpu.memory_space<vmem>>
    %dma_wait3A_221 = arith.constant 0 : i32
    %dma_wait3A_222 = tpu.memref_slice %arg6[%dma_wait3A_221] : memref<1000000xf32, #tpu.memory_space<hbm>> -> memref<1000000xf32, #tpu.memory_space<hbm>>
    tpu.wait_indirect_dma semaphore(%arg14 : memref<!tpu.dma_semaphore, #tpu.memory_space<semaphore_mem>>) src(%dma_wait3A_222 : memref<1000000xf32, #tpu.memory_space<hbm>>) dst(%dma_wait3A_217 : memref<128xf32, #tpu.memory_space<vmem>>)
    %dma_wait3A_223 = arith.constant 1 : i32
    %dma_wait3A_224 = arith.constant 0 : i32
    %dma_wait3A_225 = arith.constant 1 : i32
    %dma_wait3A_226 = arith.constant 0 : i32
    %dma_wait3A_227 = arith.constant 0 : i32
    %dma_wait3A_228 = tpu.memref_slice %arg10[%dma_wait3A_225, %dma_wait3A_226, %dma_wait3A_227] : memref<3x4x128xf32, #tpu.memory_space<vmem>> -> memref<1x1x128xf32, #tpu.memory_space<vmem>>
    %dma_wait3A_229 = tpu.memref_squeeze %dma_wait3A_228 : memref<1x1x128xf32, #tpu.memory_space<vmem>> -> memref<128xf32, #tpu.memory_space<vmem>>
    %dma_wait3A_230 = arith.constant 0 : i32
    %dma_wait3A_231 = tpu.memref_slice %arg9[%dma_wait3A_223, %dma_wait3A_224, %dma_wait3A_230] : memref<2x4x128xi32, #tpu.memory_space<vmem>> -> memref<1x1x128xi32, #tpu.memory_space<vmem>>
    %dma_wait3A_232 = tpu.memref_squeeze %dma_wait3A_231 : memref<1x1x128xi32, #tpu.memory_space<vmem>> -> memref<128xi32, #tpu.memory_space<vmem>>
    %dma_wait3A_233 = arith.constant 0 : i32
    %dma_wait3A_234 = tpu.memref_slice %arg7[%dma_wait3A_233] : memref<1000000xf32, #tpu.memory_space<hbm>> -> memref<1000000xf32, #tpu.memory_space<hbm>>
    tpu.wait_indirect_dma semaphore(%arg14 : memref<!tpu.dma_semaphore, #tpu.memory_space<semaphore_mem>>) src(%dma_wait3A_234 : memref<1000000xf32, #tpu.memory_space<hbm>>) dst(%dma_wait3A_229 : memref<128xf32, #tpu.memory_space<vmem>>)
    %dma_wait3A_235 = arith.constant 0 : i32
    %dma_wait3A_236 = arith.constant 1 : i32
    %dma_wait3A_237 = arith.constant 0 : i32
    %dma_wait3A_238 = arith.constant 1 : i32
    %dma_wait3A_239 = arith.constant 0 : i32
    %dma_wait3A_240 = tpu.memref_slice %arg10[%dma_wait3A_237, %dma_wait3A_238, %dma_wait3A_239] : memref<3x4x128xf32, #tpu.memory_space<vmem>> -> memref<1x1x128xf32, #tpu.memory_space<vmem>>
    %dma_wait3A_241 = tpu.memref_squeeze %dma_wait3A_240 : memref<1x1x128xf32, #tpu.memory_space<vmem>> -> memref<128xf32, #tpu.memory_space<vmem>>
    %dma_wait3A_242 = arith.constant 0 : i32
    %dma_wait3A_243 = tpu.memref_slice %arg9[%dma_wait3A_235, %dma_wait3A_236, %dma_wait3A_242] : memref<2x4x128xi32, #tpu.memory_space<vmem>> -> memref<1x1x128xi32, #tpu.memory_space<vmem>>
    %dma_wait3A_244 = tpu.memref_squeeze %dma_wait3A_243 : memref<1x1x128xi32, #tpu.memory_space<vmem>> -> memref<128xi32, #tpu.memory_space<vmem>>
    %dma_wait3A_245 = arith.constant 0 : i32
    %dma_wait3A_246 = tpu.memref_slice %arg6[%dma_wait3A_245] : memref<1000000xf32, #tpu.memory_space<hbm>> -> memref<1000000xf32, #tpu.memory_space<hbm>>
    tpu.wait_indirect_dma semaphore(%arg14 : memref<!tpu.dma_semaphore, #tpu.memory_space<semaphore_mem>>) src(%dma_wait3A_246 : memref<1000000xf32, #tpu.memory_space<hbm>>) dst(%dma_wait3A_241 : memref<128xf32, #tpu.memory_space<vmem>>)
    %dma_wait3A_247 = arith.constant 1 : i32
    %dma_wait3A_248 = arith.constant 1 : i32
    %dma_wait3A_249 = arith.constant 1 : i32
    %dma_wait3A_250 = arith.constant 1 : i32
    %dma_wait3A_251 = arith.constant 0 : i32
    %dma_wait3A_252 = tpu.memref_slice %arg10[%dma_wait3A_249, %dma_wait3A_250, %dma_wait3A_251] : memref<3x4x128xf32, #tpu.memory_space<vmem>> -> memref<1x1x128xf32, #tpu.memory_space<vmem>>
    %dma_wait3A_253 = tpu.memref_squeeze %dma_wait3A_252 : memref<1x1x128xf32, #tpu.memory_space<vmem>> -> memref<128xf32, #tpu.memory_space<vmem>>
    %dma_wait3A_254 = arith.constant 0 : i32
    %dma_wait3A_255 = tpu.memref_slice %arg9[%dma_wait3A_247, %dma_wait3A_248, %dma_wait3A_254] : memref<2x4x128xi32, #tpu.memory_space<vmem>> -> memref<1x1x128xi32, #tpu.memory_space<vmem>>
    %dma_wait3A_256 = tpu.memref_squeeze %dma_wait3A_255 : memref<1x1x128xi32, #tpu.memory_space<vmem>> -> memref<128xi32, #tpu.memory_space<vmem>>
    %dma_wait3A_257 = arith.constant 0 : i32
    %dma_wait3A_258 = tpu.memref_slice %arg7[%dma_wait3A_257] : memref<1000000xf32, #tpu.memory_space<hbm>> -> memref<1000000xf32, #tpu.memory_space<hbm>>
    tpu.wait_indirect_dma semaphore(%arg14 : memref<!tpu.dma_semaphore, #tpu.memory_space<semaphore_mem>>) src(%dma_wait3A_258 : memref<1000000xf32, #tpu.memory_space<hbm>>) dst(%dma_wait3A_253 : memref<128xf32, #tpu.memory_space<vmem>>)
    %dma_wait3A_259 = arith.constant 0 : i32
    %dma_wait3A_260 = arith.constant 2 : i32
    %dma_wait3A_261 = arith.constant 0 : i32
    %dma_wait3A_262 = arith.constant 2 : i32
    %dma_wait3A_263 = arith.constant 0 : i32
    %dma_wait3A_264 = tpu.memref_slice %arg10[%dma_wait3A_261, %dma_wait3A_262, %dma_wait3A_263] : memref<3x4x128xf32, #tpu.memory_space<vmem>> -> memref<1x1x128xf32, #tpu.memory_space<vmem>>
    %dma_wait3A_265 = tpu.memref_squeeze %dma_wait3A_264 : memref<1x1x128xf32, #tpu.memory_space<vmem>> -> memref<128xf32, #tpu.memory_space<vmem>>
    %dma_wait3A_266 = arith.constant 0 : i32
    %dma_wait3A_267 = tpu.memref_slice %arg9[%dma_wait3A_259, %dma_wait3A_260, %dma_wait3A_266] : memref<2x4x128xi32, #tpu.memory_space<vmem>> -> memref<1x1x128xi32, #tpu.memory_space<vmem>>
    %dma_wait3A_268 = tpu.memref_squeeze %dma_wait3A_267 : memref<1x1x128xi32, #tpu.memory_space<vmem>> -> memref<128xi32, #tpu.memory_space<vmem>>
    %dma_wait3A_269 = arith.constant 0 : i32
    %dma_wait3A_270 = tpu.memref_slice %arg6[%dma_wait3A_269] : memref<1000000xf32, #tpu.memory_space<hbm>> -> memref<1000000xf32, #tpu.memory_space<hbm>>
    tpu.wait_indirect_dma semaphore(%arg14 : memref<!tpu.dma_semaphore, #tpu.memory_space<semaphore_mem>>) src(%dma_wait3A_270 : memref<1000000xf32, #tpu.memory_space<hbm>>) dst(%dma_wait3A_265 : memref<128xf32, #tpu.memory_space<vmem>>)
    %dma_wait3A_271 = arith.constant 1 : i32
    %dma_wait3A_272 = arith.constant 2 : i32
    %dma_wait3A_273 = arith.constant 1 : i32
    %dma_wait3A_274 = arith.constant 2 : i32
    %dma_wait3A_275 = arith.constant 0 : i32
    %dma_wait3A_276 = tpu.memref_slice %arg10[%dma_wait3A_273, %dma_wait3A_274, %dma_wait3A_275] : memref<3x4x128xf32, #tpu.memory_space<vmem>> -> memref<1x1x128xf32, #tpu.memory_space<vmem>>
    %dma_wait3A_277 = tpu.memref_squeeze %dma_wait3A_276 : memref<1x1x128xf32, #tpu.memory_space<vmem>> -> memref<128xf32, #tpu.memory_space<vmem>>
    %dma_wait3A_278 = arith.constant 0 : i32
    %dma_wait3A_279 = tpu.memref_slice %arg9[%dma_wait3A_271, %dma_wait3A_272, %dma_wait3A_278] : memref<2x4x128xi32, #tpu.memory_space<vmem>> -> memref<1x1x128xi32, #tpu.memory_space<vmem>>
    %dma_wait3A_280 = tpu.memref_squeeze %dma_wait3A_279 : memref<1x1x128xi32, #tpu.memory_space<vmem>> -> memref<128xi32, #tpu.memory_space<vmem>>
    %dma_wait3A_281 = arith.constant 0 : i32
    %dma_wait3A_282 = tpu.memref_slice %arg7[%dma_wait3A_281] : memref<1000000xf32, #tpu.memory_space<hbm>> -> memref<1000000xf32, #tpu.memory_space<hbm>>
    tpu.wait_indirect_dma semaphore(%arg14 : memref<!tpu.dma_semaphore, #tpu.memory_space<semaphore_mem>>) src(%dma_wait3A_282 : memref<1000000xf32, #tpu.memory_space<hbm>>) dst(%dma_wait3A_277 : memref<128xf32, #tpu.memory_space<vmem>>)
    %dma_wait3A_283 = arith.constant 0 : i32
    %dma_wait3A_284 = arith.constant 3 : i32
    %dma_wait3A_285 = arith.constant 0 : i32
    %dma_wait3A_286 = arith.constant 3 : i32
    %dma_wait3A_287 = arith.constant 0 : i32
    %dma_wait3A_288 = tpu.memref_slice %arg10[%dma_wait3A_285, %dma_wait3A_286, %dma_wait3A_287] : memref<3x4x128xf32, #tpu.memory_space<vmem>> -> memref<1x1x128xf32, #tpu.memory_space<vmem>>
    %dma_wait3A_289 = tpu.memref_squeeze %dma_wait3A_288 : memref<1x1x128xf32, #tpu.memory_space<vmem>> -> memref<128xf32, #tpu.memory_space<vmem>>
    %dma_wait3A_290 = arith.constant 0 : i32
    %dma_wait3A_291 = tpu.memref_slice %arg9[%dma_wait3A_283, %dma_wait3A_284, %dma_wait3A_290] : memref<2x4x128xi32, #tpu.memory_space<vmem>> -> memref<1x1x128xi32, #tpu.memory_space<vmem>>
    %dma_wait3A_292 = tpu.memref_squeeze %dma_wait3A_291 : memref<1x1x128xi32, #tpu.memory_space<vmem>> -> memref<128xi32, #tpu.memory_space<vmem>>
    %dma_wait3A_293 = arith.constant 0 : i32
    %dma_wait3A_294 = tpu.memref_slice %arg6[%dma_wait3A_293] : memref<1000000xf32, #tpu.memory_space<hbm>> -> memref<1000000xf32, #tpu.memory_space<hbm>>
    tpu.wait_indirect_dma semaphore(%arg14 : memref<!tpu.dma_semaphore, #tpu.memory_space<semaphore_mem>>) src(%dma_wait3A_294 : memref<1000000xf32, #tpu.memory_space<hbm>>) dst(%dma_wait3A_289 : memref<128xf32, #tpu.memory_space<vmem>>)
    %dma_wait3A_295 = arith.constant 1 : i32
    %dma_wait3A_296 = arith.constant 3 : i32
    %dma_wait3A_297 = arith.constant 1 : i32
    %dma_wait3A_298 = arith.constant 3 : i32
    %dma_wait3A_299 = arith.constant 0 : i32
    %dma_wait3A_300 = tpu.memref_slice %arg10[%dma_wait3A_297, %dma_wait3A_298, %dma_wait3A_299] : memref<3x4x128xf32, #tpu.memory_space<vmem>> -> memref<1x1x128xf32, #tpu.memory_space<vmem>>
    %dma_wait3A_301 = tpu.memref_squeeze %dma_wait3A_300 : memref<1x1x128xf32, #tpu.memory_space<vmem>> -> memref<128xf32, #tpu.memory_space<vmem>>
    %dma_wait3A_302 = arith.constant 0 : i32
    %dma_wait3A_303 = tpu.memref_slice %arg9[%dma_wait3A_295, %dma_wait3A_296, %dma_wait3A_302] : memref<2x4x128xi32, #tpu.memory_space<vmem>> -> memref<1x1x128xi32, #tpu.memory_space<vmem>>
    %dma_wait3A_304 = tpu.memref_squeeze %dma_wait3A_303 : memref<1x1x128xi32, #tpu.memory_space<vmem>> -> memref<128xi32, #tpu.memory_space<vmem>>
    %dma_wait3A_305 = arith.constant 0 : i32
    %dma_wait3A_306 = tpu.memref_slice %arg7[%dma_wait3A_305] : memref<1000000xf32, #tpu.memory_space<hbm>> -> memref<1000000xf32, #tpu.memory_space<hbm>>
    tpu.wait_indirect_dma semaphore(%arg14 : memref<!tpu.dma_semaphore, #tpu.memory_space<semaphore_mem>>) src(%dma_wait3A_306 : memref<1000000xf32, #tpu.memory_space<hbm>>) dst(%dma_wait3A_301 : memref<128xf32, #tpu.memory_space<vmem>>)
    %get3A = arith.constant 0 : i32
    %get3A_307 = arith.index_cast %get3A : i32 to index
    %get3A_308 = arith.constant 0 : index
    %get3A_309 = tpu.vector_load %arg11[%get3A_307, %get3A_308] {strides = array<i32>} : memref<2x16xf32, #tpu.memory_space<vmem>>, vector<1x16xf32>,
    %get3A_310 = vector.shape_cast %get3A_309 : vector<1x16xf32> to vector<16xf32>
    %broadcast_in_dim3A = arith.constant 0.000000e+00 : f32
    %broadcast_in_dim3A_311 = vector.broadcast %broadcast_in_dim3A : f32 to vector<16xf32>
    %get3A_312 = arith.constant 0 : i32
    %get3A_313 = arith.constant 0 : i32
    %get3A_314 = arith.index_cast %get3A_312 : i32 to index
    %get3A_315 = arith.index_cast %get3A_313 : i32 to index
    %get3A_316 = arith.constant 0 : index
    %get3A_317 = tpu.vector_load %arg10[%get3A_314, %get3A_315, %get3A_316] {strides = array<i32>} : memref<3x4x128xf32, #tpu.memory_space<vmem>>, vector<1x1x16xf32>,
    %get3A_318 = vector.shape_cast %get3A_317 : vector<1x1x16xf32> to vector<16xf32>
    %add3A_319 = arith.addf %get3A_310, %get3A_318 : vector<16xf32>
    %get3A_320 = arith.constant 1 : i32
    %get3A_321 = arith.constant 0 : i32
    %get3A_322 = arith.index_cast %get3A_320 : i32 to index
    %get3A_323 = arith.index_cast %get3A_321 : i32 to index
    %get3A_324 = arith.constant 0 : index
    %get3A_325 = tpu.vector_load %arg10[%get3A_322, %get3A_323, %get3A_324] {strides = array<i32>} : memref<3x4x128xf32, #tpu.memory_space<vmem>>, vector<1x1x16xf32>,
    %get3A_326 = vector.shape_cast %get3A_325 : vector<1x1x16xf32> to vector<16xf32>
    %add3A_327 = arith.addf %add3A_319, %get3A_326 : vector<16xf32>
    %get3A_328 = arith.constant 2 : i32
    %get3A_329 = arith.constant 0 : i32
    %get3A_330 = arith.index_cast %get3A_328 : i32 to index
    %get3A_331 = arith.index_cast %get3A_329 : i32 to index
    %get3A_332 = arith.constant 0 : index
    %get3A_333 = tpu.vector_load %arg10[%get3A_330, %get3A_331, %get3A_332] {strides = array<i32>} : memref<3x4x128xf32, #tpu.memory_space<vmem>>, vector<1x1x16xf32>,
    %get3A_334 = vector.shape_cast %get3A_333 : vector<1x1x16xf32> to vector<16xf32>
    %sub3A = arith.subf %add3A_327, %get3A_334 : vector<16xf32>
    %mul3A_335 = arith.mulf %sub3A, %sub3A : vector<16xf32>
    %add3A_336 = arith.addf %broadcast_in_dim3A_311, %mul3A_335 : vector<16xf32>
    %get3A_337 = arith.constant 0 : i32
    %get3A_338 = arith.constant 0 : i32
    %get3A_339 = arith.index_cast %get3A_337 : i32 to index
    %get3A_340 = arith.index_cast %get3A_338 : i32 to index
    %get3A_341 = arith.constant 16 : index
    %get3A_342 = tpu.vector_load %arg10[%get3A_339, %get3A_340, %get3A_341] {strides = array<i32>} : memref<3x4x128xf32, #tpu.memory_space<vmem>>, vector<1x1x16xf32>,
    %get3A_343 = vector.shape_cast %get3A_342 : vector<1x1x16xf32> to vector<16xf32>
    %add3A_344 = arith.addf %get3A_310, %get3A_343 : vector<16xf32>
    %get3A_345 = arith.constant 1 : i32
    %get3A_346 = arith.constant 0 : i32
    %get3A_347 = arith.index_cast %get3A_345 : i32 to index
    %get3A_348 = arith.index_cast %get3A_346 : i32 to index
    %get3A_349 = arith.constant 16 : index
    %get3A_350 = tpu.vector_load %arg10[%get3A_347, %get3A_348, %get3A_349] {strides = array<i32>} : memref<3x4x128xf32, #tpu.memory_space<vmem>>, vector<1x1x16xf32>,
    %get3A_351 = vector.shape_cast %get3A_350 : vector<1x1x16xf32> to vector<16xf32>
    %add3A_352 = arith.addf %add3A_344, %get3A_351 : vector<16xf32>
    %get3A_353 = arith.constant 2 : i32
    %get3A_354 = arith.constant 0 : i32
    %get3A_355 = arith.index_cast %get3A_353 : i32 to index
    %get3A_356 = arith.index_cast %get3A_354 : i32 to index
    %get3A_357 = arith.constant 16 : index
    %get3A_358 = tpu.vector_load %arg10[%get3A_355, %get3A_356, %get3A_357] {strides = array<i32>} : memref<3x4x128xf32, #tpu.memory_space<vmem>>, vector<1x1x16xf32>,
    %get3A_359 = vector.shape_cast %get3A_358 : vector<1x1x16xf32> to vector<16xf32>
    %sub3A_360 = arith.subf %add3A_352, %get3A_359 : vector<16xf32>
    %mul3A_361 = arith.mulf %sub3A_360, %sub3A_360 : vector<16xf32>
    %add3A_362 = arith.addf %add3A_336, %mul3A_361 : vector<16xf32>
    %get3A_363 = arith.constant 0 : i32
    %get3A_364 = arith.constant 0 : i32
    %get3A_365 = arith.index_cast %get3A_363 : i32 to index
    %get3A_366 = arith.index_cast %get3A_364 : i32 to index
    %get3A_367 = arith.constant 32 : index
    %get3A_368 = tpu.vector_load %arg10[%get3A_365, %get3A_366, %get3A_367] {strides = array<i32>} : memref<3x4x128xf32, #tpu.memory_space<vmem>>, vector<1x1x16xf32>,
    %get3A_369 = vector.shape_cast %get3A_368 : vector<1x1x16xf32> to vector<16xf32>
    %add3A_370 = arith.addf %get3A_310, %get3A_369 : vector<16xf32>
    %get3A_371 = arith.constant 1 : i32
    %get3A_372 = arith.constant 0 : i32
    %get3A_373 = arith.index_cast %get3A_371 : i32 to index
    %get3A_374 = arith.index_cast %get3A_372 : i32 to index
    %get3A_375 = arith.constant 32 : index
    %get3A_376 = tpu.vector_load %arg10[%get3A_373, %get3A_374, %get3A_375] {strides = array<i32>} : memref<3x4x128xf32, #tpu.memory_space<vmem>>, vector<1x1x16xf32>,
    %get3A_377 = vector.shape_cast %get3A_376 : vector<1x1x16xf32> to vector<16xf32>
    %add3A_378 = arith.addf %add3A_370, %get3A_377 : vector<16xf32>
    %get3A_379 = arith.constant 2 : i32
    %get3A_380 = arith.constant 0 : i32
    %get3A_381 = arith.index_cast %get3A_379 : i32 to index
    %get3A_382 = arith.index_cast %get3A_380 : i32 to index
    %get3A_383 = arith.constant 32 : index
    %get3A_384 = tpu.vector_load %arg10[%get3A_381, %get3A_382, %get3A_383] {strides = array<i32>} : memref<3x4x128xf32, #tpu.memory_space<vmem>>, vector<1x1x16xf32>,
    %get3A_385 = vector.shape_cast %get3A_384 : vector<1x1x16xf32> to vector<16xf32>
    %sub3A_386 = arith.subf %add3A_378, %get3A_385 : vector<16xf32>
    %mul3A_387 = arith.mulf %sub3A_386, %sub3A_386 : vector<16xf32>
    %add3A_388 = arith.addf %add3A_362, %mul3A_387 : vector<16xf32>
    %get3A_389 = arith.constant 0 : i32
    %get3A_390 = arith.constant 0 : i32
    %get3A_391 = arith.index_cast %get3A_389 : i32 to index
    %get3A_392 = arith.index_cast %get3A_390 : i32 to index
    %get3A_393 = arith.constant 48 : index
    %get3A_394 = tpu.vector_load %arg10[%get3A_391, %get3A_392, %get3A_393] {strides = array<i32>} : memref<3x4x128xf32, #tpu.memory_space<vmem>>, vector<1x1x16xf32>,
    %get3A_395 = vector.shape_cast %get3A_394 : vector<1x1x16xf32> to vector<16xf32>
    %add3A_396 = arith.addf %get3A_310, %get3A_395 : vector<16xf32>
    %get3A_397 = arith.constant 1 : i32
    %get3A_398 = arith.constant 0 : i32
    %get3A_399 = arith.index_cast %get3A_397 : i32 to index
    %get3A_400 = arith.index_cast %get3A_398 : i32 to index
    %get3A_401 = arith.constant 48 : index
    %get3A_402 = tpu.vector_load %arg10[%get3A_399, %get3A_400, %get3A_401] {strides = array<i32>} : memref<3x4x128xf32, #tpu.memory_space<vmem>>, vector<1x1x16xf32>,
    %get3A_403 = vector.shape_cast %get3A_402 : vector<1x1x16xf32> to vector<16xf32>
    %add3A_404 = arith.addf %add3A_396, %get3A_403 : vector<16xf32>
    %get3A_405 = arith.constant 2 : i32
    %get3A_406 = arith.constant 0 : i32
    %get3A_407 = arith.index_cast %get3A_405 : i32 to index
    %get3A_408 = arith.index_cast %get3A_406 : i32 to index
    %get3A_409 = arith.constant 48 : index
    %get3A_410 = tpu.vector_load %arg10[%get3A_407, %get3A_408, %get3A_409] {strides = array<i32>} : memref<3x4x128xf32, #tpu.memory_space<vmem>>, vector<1x1x16xf32>,
    %get3A_411 = vector.shape_cast %get3A_410 : vector<1x1x16xf32> to vector<16xf32>
    %sub3A_412 = arith.subf %add3A_404, %get3A_411 : vector<16xf32>
    %mul3A_413 = arith.mulf %sub3A_412, %sub3A_412 : vector<16xf32>
    %add3A_414 = arith.addf %add3A_388, %mul3A_413 : vector<16xf32>
    %get3A_415 = arith.constant 0 : i32
    %get3A_416 = arith.constant 0 : i32
    %get3A_417 = arith.index_cast %get3A_415 : i32 to index
    %get3A_418 = arith.index_cast %get3A_416 : i32 to index
    %get3A_419 = arith.constant 64 : index
    %get3A_420 = tpu.vector_load %arg10[%get3A_417, %get3A_418, %get3A_419] {strides = array<i32>} : memref<3x4x128xf32, #tpu.memory_space<vmem>>, vector<1x1x16xf32>,
    %get3A_421 = vector.shape_cast %get3A_420 : vector<1x1x16xf32> to vector<16xf32>
    %add3A_422 = arith.addf %get3A_310, %get3A_421 : vector<16xf32>
    %get3A_423 = arith.constant 1 : i32
    %get3A_424 = arith.constant 0 : i32
    %get3A_425 = arith.index_cast %get3A_423 : i32 to index
    %get3A_426 = arith.index_cast %get3A_424 : i32 to index
    %get3A_427 = arith.constant 64 : index
    %get3A_428 = tpu.vector_load %arg10[%get3A_425, %get3A_426, %get3A_427] {strides = array<i32>} : memref<3x4x128xf32, #tpu.memory_space<vmem>>, vector<1x1x16xf32>,
    %get3A_429 = vector.shape_cast %get3A_428 : vector<1x1x16xf32> to vector<16xf32>
    %add3A_430 = arith.addf %add3A_422, %get3A_429 : vector<16xf32>
    %get3A_431 = arith.constant 2 : i32
    %get3A_432 = arith.constant 0 : i32
    %get3A_433 = arith.index_cast %get3A_431 : i32 to index
    %get3A_434 = arith.index_cast %get3A_432 : i32 to index
    %get3A_435 = arith.constant 64 : index
    %get3A_436 = tpu.vector_load %arg10[%get3A_433, %get3A_434, %get3A_435] {strides = array<i32>} : memref<3x4x128xf32, #tpu.memory_space<vmem>>, vector<1x1x16xf32>,
    %get3A_437 = vector.shape_cast %get3A_436 : vector<1x1x16xf32> to vector<16xf32>
    %sub3A_438 = arith.subf %add3A_430, %get3A_437 : vector<16xf32>
    %mul3A_439 = arith.mulf %sub3A_438, %sub3A_438 : vector<16xf32>
    %add3A_440 = arith.addf %add3A_414, %mul3A_439 : vector<16xf32>
    %get3A_441 = arith.constant 0 : i32
    %get3A_442 = arith.constant 0 : i32
    %get3A_443 = arith.index_cast %get3A_441 : i32 to index
    %get3A_444 = arith.index_cast %get3A_442 : i32 to index
    %get3A_445 = arith.constant 80 : index
    %get3A_446 = tpu.vector_load %arg10[%get3A_443, %get3A_444, %get3A_445] {strides = array<i32>} : memref<3x4x128xf32, #tpu.memory_space<vmem>>, vector<1x1x16xf32>,
    %get3A_447 = vector.shape_cast %get3A_446 : vector<1x1x16xf32> to vector<16xf32>
    %add3A_448 = arith.addf %get3A_310, %get3A_447 : vector<16xf32>
    %get3A_449 = arith.constant 1 : i32
    %get3A_450 = arith.constant 0 : i32
    %get3A_451 = arith.index_cast %get3A_449 : i32 to index
    %get3A_452 = arith.index_cast %get3A_450 : i32 to index
    %get3A_453 = arith.constant 80 : index
    %get3A_454 = tpu.vector_load %arg10[%get3A_451, %get3A_452, %get3A_453] {strides = array<i32>} : memref<3x4x128xf32, #tpu.memory_space<vmem>>, vector<1x1x16xf32>,
    %get3A_455 = vector.shape_cast %get3A_454 : vector<1x1x16xf32> to vector<16xf32>
    %add3A_456 = arith.addf %add3A_448, %get3A_455 : vector<16xf32>
    %get3A_457 = arith.constant 2 : i32
    %get3A_458 = arith.constant 0 : i32
    %get3A_459 = arith.index_cast %get3A_457 : i32 to index
    %get3A_460 = arith.index_cast %get3A_458 : i32 to index
    %get3A_461 = arith.constant 80 : index
    %get3A_462 = tpu.vector_load %arg10[%get3A_459, %get3A_460, %get3A_461] {strides = array<i32>} : memref<3x4x128xf32, #tpu.memory_space<vmem>>, vector<1x1x16xf32>,
    %get3A_463 = vector.shape_cast %get3A_462 : vector<1x1x16xf32> to vector<16xf32>
    %sub3A_464 = arith.subf %add3A_456, %get3A_463 : vector<16xf32>
    %mul3A_465 = arith.mulf %sub3A_464, %sub3A_464 : vector<16xf32>
    %add3A_466 = arith.addf %add3A_440, %mul3A_465 : vector<16xf32>
    %get3A_467 = arith.constant 0 : i32
    %get3A_468 = arith.constant 0 : i32
    %get3A_469 = arith.index_cast %get3A_467 : i32 to index
    %get3A_470 = arith.index_cast %get3A_468 : i32 to index
    %get3A_471 = arith.constant 96 : index
    %get3A_472 = tpu.vector_load %arg10[%get3A_469, %get3A_470, %get3A_471] {strides = array<i32>} : memref<3x4x128xf32, #tpu.memory_space<vmem>>, vector<1x1x16xf32>,
    %get3A_473 = vector.shape_cast %get3A_472 : vector<1x1x16xf32> to vector<16xf32>
    %add3A_474 = arith.addf %get3A_310, %get3A_473 : vector<16xf32>
    %get3A_475 = arith.constant 1 : i32
    %get3A_476 = arith.constant 0 : i32
    %get3A_477 = arith.index_cast %get3A_475 : i32 to index
    %get3A_478 = arith.index_cast %get3A_476 : i32 to index
    %get3A_479 = arith.constant 96 : index
    %get3A_480 = tpu.vector_load %arg10[%get3A_477, %get3A_478, %get3A_479] {strides = array<i32>} : memref<3x4x128xf32, #tpu.memory_space<vmem>>, vector<1x1x16xf32>,
    %get3A_481 = vector.shape_cast %get3A_480 : vector<1x1x16xf32> to vector<16xf32>
    %add3A_482 = arith.addf %add3A_474, %get3A_481 : vector<16xf32>
    %get3A_483 = arith.constant 2 : i32
    %get3A_484 = arith.constant 0 : i32
    %get3A_485 = arith.index_cast %get3A_483 : i32 to index
    %get3A_486 = arith.index_cast %get3A_484 : i32 to index
    %get3A_487 = arith.constant 96 : index
    %get3A_488 = tpu.vector_load %arg10[%get3A_485, %get3A_486, %get3A_487] {strides = array<i32>} : memref<3x4x128xf32, #tpu.memory_space<vmem>>, vector<1x1x16xf32>,
    %get3A_489 = vector.shape_cast %get3A_488 : vector<1x1x16xf32> to vector<16xf32>
    %sub3A_490 = arith.subf %add3A_482, %get3A_489 : vector<16xf32>
    %mul3A_491 = arith.mulf %sub3A_490, %sub3A_490 : vector<16xf32>
    %add3A_492 = arith.addf %add3A_466, %mul3A_491 : vector<16xf32>
    %get3A_493 = arith.constant 0 : i32
    %get3A_494 = arith.constant 0 : i32
    %get3A_495 = arith.index_cast %get3A_493 : i32 to index
    %get3A_496 = arith.index_cast %get3A_494 : i32 to index
    %get3A_497 = arith.constant 112 : index
    %get3A_498 = tpu.vector_load %arg10[%get3A_495, %get3A_496, %get3A_497] {strides = array<i32>} : memref<3x4x128xf32, #tpu.memory_space<vmem>>, vector<1x1x16xf32>,
    %get3A_499 = vector.shape_cast %get3A_498 : vector<1x1x16xf32> to vector<16xf32>
    %add3A_500 = arith.addf %get3A_310, %get3A_499 : vector<16xf32>
    %get3A_501 = arith.constant 1 : i32
    %get3A_502 = arith.constant 0 : i32
    %get3A_503 = arith.index_cast %get3A_501 : i32 to index
    %get3A_504 = arith.index_cast %get3A_502 : i32 to index
    %get3A_505 = arith.constant 112 : index
    %get3A_506 = tpu.vector_load %arg10[%get3A_503, %get3A_504, %get3A_505] {strides = array<i32>} : memref<3x4x128xf32, #tpu.memory_space<vmem>>, vector<1x1x16xf32>,
    %get3A_507 = vector.shape_cast %get3A_506 : vector<1x1x16xf32> to vector<16xf32>
    %add3A_508 = arith.addf %add3A_500, %get3A_507 : vector<16xf32>
    %get3A_509 = arith.constant 2 : i32
    %get3A_510 = arith.constant 0 : i32
    %get3A_511 = arith.index_cast %get3A_509 : i32 to index
    %get3A_512 = arith.index_cast %get3A_510 : i32 to index
    %get3A_513 = arith.constant 112 : index
    %get3A_514 = tpu.vector_load %arg10[%get3A_511, %get3A_512, %get3A_513] {strides = array<i32>} : memref<3x4x128xf32, #tpu.memory_space<vmem>>, vector<1x1x16xf32>,
    %get3A_515 = vector.shape_cast %get3A_514 : vector<1x1x16xf32> to vector<16xf32>
    %sub3A_516 = arith.subf %add3A_508, %get3A_515 : vector<16xf32>
    %mul3A_517 = arith.mulf %sub3A_516, %sub3A_516 : vector<16xf32>
    %add3A_518 = arith.addf %add3A_492, %mul3A_517 : vector<16xf32>
    %get3A_519 = arith.constant 0 : i32
    %get3A_520 = arith.constant 1 : i32
    %get3A_521 = arith.index_cast %get3A_519 : i32 to index
    %get3A_522 = arith.index_cast %get3A_520 : i32 to index
    %get3A_523 = arith.constant 0 : index
    %get3A_524 = tpu.vector_load %arg10[%get3A_521, %get3A_522, %get3A_523] {strides = array<i32>} : memref<3x4x128xf32, #tpu.memory_space<vmem>>, vector<1x1x16xf32>,
    %get3A_525 = vector.shape_cast %get3A_524 : vector<1x1x16xf32> to vector<16xf32>
    %add3A_526 = arith.addf %get3A_310, %get3A_525 : vector<16xf32>
    %get3A_527 = arith.constant 1 : i32
    %get3A_528 = arith.constant 1 : i32
    %get3A_529 = arith.index_cast %get3A_527 : i32 to index
    %get3A_530 = arith.index_cast %get3A_528 : i32 to index
    %get3A_531 = arith.constant 0 : index
    %get3A_532 = tpu.vector_load %arg10[%get3A_529, %get3A_530, %get3A_531] {strides = array<i32>} : memref<3x4x128xf32, #tpu.memory_space<vmem>>, vector<1x1x16xf32>,
    %get3A_533 = vector.shape_cast %get3A_532 : vector<1x1x16xf32> to vector<16xf32>
    %add3A_534 = arith.addf %add3A_526, %get3A_533 : vector<16xf32>
    %get3A_535 = arith.constant 2 : i32
    %get3A_536 = arith.constant 1 : i32
    %get3A_537 = arith.index_cast %get3A_535 : i32 to index
    %get3A_538 = arith.index_cast %get3A_536 : i32 to index
    %get3A_539 = arith.constant 0 : index
    %get3A_540 = tpu.vector_load %arg10[%get3A_537, %get3A_538, %get3A_539] {strides = array<i32>} : memref<3x4x128xf32, #tpu.memory_space<vmem>>, vector<1x1x16xf32>,
    %get3A_541 = vector.shape_cast %get3A_540 : vector<1x1x16xf32> to vector<16xf32>
    %sub3A_542 = arith.subf %add3A_534, %get3A_541 : vector<16xf32>
    %mul3A_543 = arith.mulf %sub3A_542, %sub3A_542 : vector<16xf32>
    %add3A_544 = arith.addf %add3A_518, %mul3A_543 : vector<16xf32>
    %get3A_545 = arith.constant 0 : i32
    %get3A_546 = arith.constant 1 : i32
    %get3A_547 = arith.index_cast %get3A_545 : i32 to index
    %get3A_548 = arith.index_cast %get3A_546 : i32 to index
    %get3A_549 = arith.constant 16 : index
    %get3A_550 = tpu.vector_load %arg10[%get3A_547, %get3A_548, %get3A_549] {strides = array<i32>} : memref<3x4x128xf32, #tpu.memory_space<vmem>>, vector<1x1x16xf32>,
    %get3A_551 = vector.shape_cast %get3A_550 : vector<1x1x16xf32> to vector<16xf32>
    %add3A_552 = arith.addf %get3A_310, %get3A_551 : vector<16xf32>
    %get3A_553 = arith.constant 1 : i32
    %get3A_554 = arith.constant 1 : i32
    %get3A_555 = arith.index_cast %get3A_553 : i32 to index
    %get3A_556 = arith.index_cast %get3A_554 : i32 to index
    %get3A_557 = arith.constant 16 : index
    %get3A_558 = tpu.vector_load %arg10[%get3A_555, %get3A_556, %get3A_557] {strides = array<i32>} : memref<3x4x128xf32, #tpu.memory_space<vmem>>, vector<1x1x16xf32>,
    %get3A_559 = vector.shape_cast %get3A_558 : vector<1x1x16xf32> to vector<16xf32>
    %add3A_560 = arith.addf %add3A_552, %get3A_559 : vector<16xf32>
    %get3A_561 = arith.constant 2 : i32
    %get3A_562 = arith.constant 1 : i32
    %get3A_563 = arith.index_cast %get3A_561 : i32 to index
    %get3A_564 = arith.index_cast %get3A_562 : i32 to index
    %get3A_565 = arith.constant 16 : index
    %get3A_566 = tpu.vector_load %arg10[%get3A_563, %get3A_564, %get3A_565] {strides = array<i32>} : memref<3x4x128xf32, #tpu.memory_space<vmem>>, vector<1x1x16xf32>,
    %get3A_567 = vector.shape_cast %get3A_566 : vector<1x1x16xf32> to vector<16xf32>
    %sub3A_568 = arith.subf %add3A_560, %get3A_567 : vector<16xf32>
    %mul3A_569 = arith.mulf %sub3A_568, %sub3A_568 : vector<16xf32>
    %add3A_570 = arith.addf %add3A_544, %mul3A_569 : vector<16xf32>
    %get3A_571 = arith.constant 0 : i32
    %get3A_572 = arith.constant 1 : i32
    %get3A_573 = arith.index_cast %get3A_571 : i32 to index
    %get3A_574 = arith.index_cast %get3A_572 : i32 to index
    %get3A_575 = arith.constant 32 : index
    %get3A_576 = tpu.vector_load %arg10[%get3A_573, %get3A_574, %get3A_575] {strides = array<i32>} : memref<3x4x128xf32, #tpu.memory_space<vmem>>, vector<1x1x16xf32>,
    %get3A_577 = vector.shape_cast %get3A_576 : vector<1x1x16xf32> to vector<16xf32>
    %add3A_578 = arith.addf %get3A_310, %get3A_577 : vector<16xf32>
    %get3A_579 = arith.constant 1 : i32
    %get3A_580 = arith.constant 1 : i32
    %get3A_581 = arith.index_cast %get3A_579 : i32 to index
    %get3A_582 = arith.index_cast %get3A_580 : i32 to index
    %get3A_583 = arith.constant 32 : index
    %get3A_584 = tpu.vector_load %arg10[%get3A_581, %get3A_582, %get3A_583] {strides = array<i32>} : memref<3x4x128xf32, #tpu.memory_space<vmem>>, vector<1x1x16xf32>,
    %get3A_585 = vector.shape_cast %get3A_584 : vector<1x1x16xf32> to vector<16xf32>
    %add3A_586 = arith.addf %add3A_578, %get3A_585 : vector<16xf32>
    %get3A_587 = arith.constant 2 : i32
    %get3A_588 = arith.constant 1 : i32
    %get3A_589 = arith.index_cast %get3A_587 : i32 to index
    %get3A_590 = arith.index_cast %get3A_588 : i32 to index
    %get3A_591 = arith.constant 32 : index
    %get3A_592 = tpu.vector_load %arg10[%get3A_589, %get3A_590, %get3A_591] {strides = array<i32>} : memref<3x4x128xf32, #tpu.memory_space<vmem>>, vector<1x1x16xf32>,
    %get3A_593 = vector.shape_cast %get3A_592 : vector<1x1x16xf32> to vector<16xf32>
    %sub3A_594 = arith.subf %add3A_586, %get3A_593 : vector<16xf32>
    %mul3A_595 = arith.mulf %sub3A_594, %sub3A_594 : vector<16xf32>
    %add3A_596 = arith.addf %add3A_570, %mul3A_595 : vector<16xf32>
    %get3A_597 = arith.constant 0 : i32
    %get3A_598 = arith.constant 1 : i32
    %get3A_599 = arith.index_cast %get3A_597 : i32 to index
    %get3A_600 = arith.index_cast %get3A_598 : i32 to index
    %get3A_601 = arith.constant 48 : index
    %get3A_602 = tpu.vector_load %arg10[%get3A_599, %get3A_600, %get3A_601] {strides = array<i32>} : memref<3x4x128xf32, #tpu.memory_space<vmem>>, vector<1x1x16xf32>,
    %get3A_603 = vector.shape_cast %get3A_602 : vector<1x1x16xf32> to vector<16xf32>
    %add3A_604 = arith.addf %get3A_310, %get3A_603 : vector<16xf32>
    %get3A_605 = arith.constant 1 : i32
    %get3A_606 = arith.constant 1 : i32
    %get3A_607 = arith.index_cast %get3A_605 : i32 to index
    %get3A_608 = arith.index_cast %get3A_606 : i32 to index
    %get3A_609 = arith.constant 48 : index
    %get3A_610 = tpu.vector_load %arg10[%get3A_607, %get3A_608, %get3A_609] {strides = array<i32>} : memref<3x4x128xf32, #tpu.memory_space<vmem>>, vector<1x1x16xf32>,
    %get3A_611 = vector.shape_cast %get3A_610 : vector<1x1x16xf32> to vector<16xf32>
    %add3A_612 = arith.addf %add3A_604, %get3A_611 : vector<16xf32>
    %get3A_613 = arith.constant 2 : i32
    %get3A_614 = arith.constant 1 : i32
    %get3A_615 = arith.index_cast %get3A_613 : i32 to index
    %get3A_616 = arith.index_cast %get3A_614 : i32 to index
    %get3A_617 = arith.constant 48 : index
    %get3A_618 = tpu.vector_load %arg10[%get3A_615, %get3A_616, %get3A_617] {strides = array<i32>} : memref<3x4x128xf32, #tpu.memory_space<vmem>>, vector<1x1x16xf32>,
    %get3A_619 = vector.shape_cast %get3A_618 : vector<1x1x16xf32> to vector<16xf32>
    %sub3A_620 = arith.subf %add3A_612, %get3A_619 : vector<16xf32>
    %mul3A_621 = arith.mulf %sub3A_620, %sub3A_620 : vector<16xf32>
    %add3A_622 = arith.addf %add3A_596, %mul3A_621 : vector<16xf32>
    %get3A_623 = arith.constant 0 : i32
    %get3A_624 = arith.constant 1 : i32
    %get3A_625 = arith.index_cast %get3A_623 : i32 to index
    %get3A_626 = arith.index_cast %get3A_624 : i32 to index
    %get3A_627 = arith.constant 64 : index
    %get3A_628 = tpu.vector_load %arg10[%get3A_625, %get3A_626, %get3A_627] {strides = array<i32>} : memref<3x4x128xf32, #tpu.memory_space<vmem>>, vector<1x1x16xf32>,
    %get3A_629 = vector.shape_cast %get3A_628 : vector<1x1x16xf32> to vector<16xf32>
    %add3A_630 = arith.addf %get3A_310, %get3A_629 : vector<16xf32>
    %get3A_631 = arith.constant 1 : i32
    %get3A_632 = arith.constant 1 : i32
    %get3A_633 = arith.index_cast %get3A_631 : i32 to index
    %get3A_634 = arith.index_cast %get3A_632 : i32 to index
    %get3A_635 = arith.constant 64 : index
    %get3A_636 = tpu.vector_load %arg10[%get3A_633, %get3A_634, %get3A_635] {strides = array<i32>} : memref<3x4x128xf32, #tpu.memory_space<vmem>>, vector<1x1x16xf32>,
    %get3A_637 = vector.shape_cast %get3A_636 : vector<1x1x16xf32> to vector<16xf32>
    %add3A_638 = arith.addf %add3A_630, %get3A_637 : vector<16xf32>
    %get3A_639 = arith.constant 2 : i32
    %get3A_640 = arith.constant 1 : i32
    %get3A_641 = arith.index_cast %get3A_639 : i32 to index
    %get3A_642 = arith.index_cast %get3A_640 : i32 to index
    %get3A_643 = arith.constant 64 : index
    %get3A_644 = tpu.vector_load %arg10[%get3A_641, %get3A_642, %get3A_643] {strides = array<i32>} : memref<3x4x128xf32, #tpu.memory_space<vmem>>, vector<1x1x16xf32>,
    %get3A_645 = vector.shape_cast %get3A_644 : vector<1x1x16xf32> to vector<16xf32>
    %sub3A_646 = arith.subf %add3A_638, %get3A_645 : vector<16xf32>
    %mul3A_647 = arith.mulf %sub3A_646, %sub3A_646 : vector<16xf32>
    %add3A_648 = arith.addf %add3A_622, %mul3A_647 : vector<16xf32>
    %get3A_649 = arith.constant 0 : i32
    %get3A_650 = arith.constant 1 : i32
    %get3A_651 = arith.index_cast %get3A_649 : i32 to index
    %get3A_652 = arith.index_cast %get3A_650 : i32 to index
    %get3A_653 = arith.constant 80 : index
    %get3A_654 = tpu.vector_load %arg10[%get3A_651, %get3A_652, %get3A_653] {strides = array<i32>} : memref<3x4x128xf32, #tpu.memory_space<vmem>>, vector<1x1x16xf32>,
    %get3A_655 = vector.shape_cast %get3A_654 : vector<1x1x16xf32> to vector<16xf32>
    %add3A_656 = arith.addf %get3A_310, %get3A_655 : vector<16xf32>
    %get3A_657 = arith.constant 1 : i32
    %get3A_658 = arith.constant 1 : i32
    %get3A_659 = arith.index_cast %get3A_657 : i32 to index
    %get3A_660 = arith.index_cast %get3A_658 : i32 to index
    %get3A_661 = arith.constant 80 : index
    %get3A_662 = tpu.vector_load %arg10[%get3A_659, %get3A_660, %get3A_661] {strides = array<i32>} : memref<3x4x128xf32, #tpu.memory_space<vmem>>, vector<1x1x16xf32>,
    %get3A_663 = vector.shape_cast %get3A_662 : vector<1x1x16xf32> to vector<16xf32>
    %add3A_664 = arith.addf %add3A_656, %get3A_663 : vector<16xf32>
    %get3A_665 = arith.constant 2 : i32
    %get3A_666 = arith.constant 1 : i32
    %get3A_667 = arith.index_cast %get3A_665 : i32 to index
    %get3A_668 = arith.index_cast %get3A_666 : i32 to index
    %get3A_669 = arith.constant 80 : index
    %get3A_670 = tpu.vector_load %arg10[%get3A_667, %get3A_668, %get3A_669] {strides = array<i32>} : memref<3x4x128xf32, #tpu.memory_space<vmem>>, vector<1x1x16xf32>,
    %get3A_671 = vector.shape_cast %get3A_670 : vector<1x1x16xf32> to vector<16xf32>
    %sub3A_672 = arith.subf %add3A_664, %get3A_671 : vector<16xf32>
    %mul3A_673 = arith.mulf %sub3A_672, %sub3A_672 : vector<16xf32>
    %add3A_674 = arith.addf %add3A_648, %mul3A_673 : vector<16xf32>
    %get3A_675 = arith.constant 0 : i32
    %get3A_676 = arith.constant 1 : i32
    %get3A_677 = arith.index_cast %get3A_675 : i32 to index
    %get3A_678 = arith.index_cast %get3A_676 : i32 to index
    %get3A_679 = arith.constant 96 : index
    %get3A_680 = tpu.vector_load %arg10[%get3A_677, %get3A_678, %get3A_679] {strides = array<i32>} : memref<3x4x128xf32, #tpu.memory_space<vmem>>, vector<1x1x16xf32>,
    %get3A_681 = vector.shape_cast %get3A_680 : vector<1x1x16xf32> to vector<16xf32>
    %add3A_682 = arith.addf %get3A_310, %get3A_681 : vector<16xf32>
    %get3A_683 = arith.constant 1 : i32
    %get3A_684 = arith.constant 1 : i32
    %get3A_685 = arith.index_cast %get3A_683 : i32 to index
    %get3A_686 = arith.index_cast %get3A_684 : i32 to index
    %get3A_687 = arith.constant 96 : index
    %get3A_688 = tpu.vector_load %arg10[%get3A_685, %get3A_686, %get3A_687] {strides = array<i32>} : memref<3x4x128xf32, #tpu.memory_space<vmem>>, vector<1x1x16xf32>,
    %get3A_689 = vector.shape_cast %get3A_688 : vector<1x1x16xf32> to vector<16xf32>
    %add3A_690 = arith.addf %add3A_682, %get3A_689 : vector<16xf32>
    %get3A_691 = arith.constant 2 : i32
    %get3A_692 = arith.constant 1 : i32
    %get3A_693 = arith.index_cast %get3A_691 : i32 to index
    %get3A_694 = arith.index_cast %get3A_692 : i32 to index
    %get3A_695 = arith.constant 96 : index
    %get3A_696 = tpu.vector_load %arg10[%get3A_693, %get3A_694, %get3A_695] {strides = array<i32>} : memref<3x4x128xf32, #tpu.memory_space<vmem>>, vector<1x1x16xf32>,
    %get3A_697 = vector.shape_cast %get3A_696 : vector<1x1x16xf32> to vector<16xf32>
    %sub3A_698 = arith.subf %add3A_690, %get3A_697 : vector<16xf32>
    %mul3A_699 = arith.mulf %sub3A_698, %sub3A_698 : vector<16xf32>
    %add3A_700 = arith.addf %add3A_674, %mul3A_699 : vector<16xf32>
    %get3A_701 = arith.constant 0 : i32
    %get3A_702 = arith.constant 1 : i32
    %get3A_703 = arith.index_cast %get3A_701 : i32 to index
    %get3A_704 = arith.index_cast %get3A_702 : i32 to index
    %get3A_705 = arith.constant 112 : index
    %get3A_706 = tpu.vector_load %arg10[%get3A_703, %get3A_704, %get3A_705] {strides = array<i32>} : memref<3x4x128xf32, #tpu.memory_space<vmem>>, vector<1x1x16xf32>,
    %get3A_707 = vector.shape_cast %get3A_706 : vector<1x1x16xf32> to vector<16xf32>
    %add3A_708 = arith.addf %get3A_310, %get3A_707 : vector<16xf32>
    %get3A_709 = arith.constant 1 : i32
    %get3A_710 = arith.constant 1 : i32
    %get3A_711 = arith.index_cast %get3A_709 : i32 to index
    %get3A_712 = arith.index_cast %get3A_710 : i32 to index
    %get3A_713 = arith.constant 112 : index
    %get3A_714 = tpu.vector_load %arg10[%get3A_711, %get3A_712, %get3A_713] {strides = array<i32>} : memref<3x4x128xf32, #tpu.memory_space<vmem>>, vector<1x1x16xf32>,
    %get3A_715 = vector.shape_cast %get3A_714 : vector<1x1x16xf32> to vector<16xf32>
    %add3A_716 = arith.addf %add3A_708, %get3A_715 : vector<16xf32>
    %get3A_717 = arith.constant 2 : i32
    %get3A_718 = arith.constant 1 : i32
    %get3A_719 = arith.index_cast %get3A_717 : i32 to index
    %get3A_720 = arith.index_cast %get3A_718 : i32 to index
    %get3A_721 = arith.constant 112 : index
    %get3A_722 = tpu.vector_load %arg10[%get3A_719, %get3A_720, %get3A_721] {strides = array<i32>} : memref<3x4x128xf32, #tpu.memory_space<vmem>>, vector<1x1x16xf32>,
    %get3A_723 = vector.shape_cast %get3A_722 : vector<1x1x16xf32> to vector<16xf32>
    %sub3A_724 = arith.subf %add3A_716, %get3A_723 : vector<16xf32>
    %mul3A_725 = arith.mulf %sub3A_724, %sub3A_724 : vector<16xf32>
    %add3A_726 = arith.addf %add3A_700, %mul3A_725 : vector<16xf32>
    %get3A_727 = arith.constant 0 : i32
    %get3A_728 = arith.constant 2 : i32
    %get3A_729 = arith.index_cast %get3A_727 : i32 to index
    %get3A_730 = arith.index_cast %get3A_728 : i32 to index
    %get3A_731 = arith.constant 0 : index
    %get3A_732 = tpu.vector_load %arg10[%get3A_729, %get3A_730, %get3A_731] {strides = array<i32>} : memref<3x4x128xf32, #tpu.memory_space<vmem>>, vector<1x1x16xf32>,
    %get3A_733 = vector.shape_cast %get3A_732 : vector<1x1x16xf32> to vector<16xf32>
    %add3A_734 = arith.addf %get3A_310, %get3A_733 : vector<16xf32>
    %get3A_735 = arith.constant 1 : i32
    %get3A_736 = arith.constant 2 : i32
    %get3A_737 = arith.index_cast %get3A_735 : i32 to index
    %get3A_738 = arith.index_cast %get3A_736 : i32 to index
    %get3A_739 = arith.constant 0 : index
    %get3A_740 = tpu.vector_load %arg10[%get3A_737, %get3A_738, %get3A_739] {strides = array<i32>} : memref<3x4x128xf32, #tpu.memory_space<vmem>>, vector<1x1x16xf32>,
    %get3A_741 = vector.shape_cast %get3A_740 : vector<1x1x16xf32> to vector<16xf32>
    %add3A_742 = arith.addf %add3A_734, %get3A_741 : vector<16xf32>
    %get3A_743 = arith.constant 2 : i32
    %get3A_744 = arith.constant 2 : i32
    %get3A_745 = arith.index_cast %get3A_743 : i32 to index
    %get3A_746 = arith.index_cast %get3A_744 : i32 to index
    %get3A_747 = arith.constant 0 : index
    %get3A_748 = tpu.vector_load %arg10[%get3A_745, %get3A_746, %get3A_747] {strides = array<i32>} : memref<3x4x128xf32, #tpu.memory_space<vmem>>, vector<1x1x16xf32>,
    %get3A_749 = vector.shape_cast %get3A_748 : vector<1x1x16xf32> to vector<16xf32>
    %sub3A_750 = arith.subf %add3A_742, %get3A_749 : vector<16xf32>
    %mul3A_751 = arith.mulf %sub3A_750, %sub3A_750 : vector<16xf32>
    %add3A_752 = arith.addf %add3A_726, %mul3A_751 : vector<16xf32>
    %get3A_753 = arith.constant 0 : i32
    %get3A_754 = arith.constant 2 : i32
    %get3A_755 = arith.index_cast %get3A_753 : i32 to index
    %get3A_756 = arith.index_cast %get3A_754 : i32 to index
    %get3A_757 = arith.constant 16 : index
    %get3A_758 = tpu.vector_load %arg10[%get3A_755, %get3A_756, %get3A_757] {strides = array<i32>} : memref<3x4x128xf32, #tpu.memory_space<vmem>>, vector<1x1x16xf32>,
    %get3A_759 = vector.shape_cast %get3A_758 : vector<1x1x16xf32> to vector<16xf32>
    %add3A_760 = arith.addf %get3A_310, %get3A_759 : vector<16xf32>
    %get3A_761 = arith.constant 1 : i32
    %get3A_762 = arith.constant 2 : i32
    %get3A_763 = arith.index_cast %get3A_761 : i32 to index
    %get3A_764 = arith.index_cast %get3A_762 : i32 to index
    %get3A_765 = arith.constant 16 : index
    %get3A_766 = tpu.vector_load %arg10[%get3A_763, %get3A_764, %get3A_765] {strides = array<i32>} : memref<3x4x128xf32, #tpu.memory_space<vmem>>, vector<1x1x16xf32>,
    %get3A_767 = vector.shape_cast %get3A_766 : vector<1x1x16xf32> to vector<16xf32>
    %add3A_768 = arith.addf %add3A_760, %get3A_767 : vector<16xf32>
    %get3A_769 = arith.constant 2 : i32
    %get3A_770 = arith.constant 2 : i32
    %get3A_771 = arith.index_cast %get3A_769 : i32 to index
    %get3A_772 = arith.index_cast %get3A_770 : i32 to index
    %get3A_773 = arith.constant 16 : index
    %get3A_774 = tpu.vector_load %arg10[%get3A_771, %get3A_772, %get3A_773] {strides = array<i32>} : memref<3x4x128xf32, #tpu.memory_space<vmem>>, vector<1x1x16xf32>,
    %get3A_775 = vector.shape_cast %get3A_774 : vector<1x1x16xf32> to vector<16xf32>
    %sub3A_776 = arith.subf %add3A_768, %get3A_775 : vector<16xf32>
    %mul3A_777 = arith.mulf %sub3A_776, %sub3A_776 : vector<16xf32>
    %add3A_778 = arith.addf %add3A_752, %mul3A_777 : vector<16xf32>
    %get3A_779 = arith.constant 0 : i32
    %get3A_780 = arith.constant 2 : i32
    %get3A_781 = arith.index_cast %get3A_779 : i32 to index
    %get3A_782 = arith.index_cast %get3A_780 : i32 to index
    %get3A_783 = arith.constant 32 : index
    %get3A_784 = tpu.vector_load %arg10[%get3A_781, %get3A_782, %get3A_783] {strides = array<i32>} : memref<3x4x128xf32, #tpu.memory_space<vmem>>, vector<1x1x16xf32>,
    %get3A_785 = vector.shape_cast %get3A_784 : vector<1x1x16xf32> to vector<16xf32>
    %add3A_786 = arith.addf %get3A_310, %get3A_785 : vector<16xf32>
    %get3A_787 = arith.constant 1 : i32
    %get3A_788 = arith.constant 2 : i32
    %get3A_789 = arith.index_cast %get3A_787 : i32 to index
    %get3A_790 = arith.index_cast %get3A_788 : i32 to index
    %get3A_791 = arith.constant 32 : index
    %get3A_792 = tpu.vector_load %arg10[%get3A_789, %get3A_790, %get3A_791] {strides = array<i32>} : memref<3x4x128xf32, #tpu.memory_space<vmem>>, vector<1x1x16xf32>,
    %get3A_793 = vector.shape_cast %get3A_792 : vector<1x1x16xf32> to vector<16xf32>
    %add3A_794 = arith.addf %add3A_786, %get3A_793 : vector<16xf32>
    %get3A_795 = arith.constant 2 : i32
    %get3A_796 = arith.constant 2 : i32
    %get3A_797 = arith.index_cast %get3A_795 : i32 to index
    %get3A_798 = arith.index_cast %get3A_796 : i32 to index
    %get3A_799 = arith.constant 32 : index
    %get3A_800 = tpu.vector_load %arg10[%get3A_797, %get3A_798, %get3A_799] {strides = array<i32>} : memref<3x4x128xf32, #tpu.memory_space<vmem>>, vector<1x1x16xf32>,
    %get3A_801 = vector.shape_cast %get3A_800 : vector<1x1x16xf32> to vector<16xf32>
    %sub3A_802 = arith.subf %add3A_794, %get3A_801 : vector<16xf32>
    %mul3A_803 = arith.mulf %sub3A_802, %sub3A_802 : vector<16xf32>
    %add3A_804 = arith.addf %add3A_778, %mul3A_803 : vector<16xf32>
    %get3A_805 = arith.constant 0 : i32
    %get3A_806 = arith.constant 2 : i32
    %get3A_807 = arith.index_cast %get3A_805 : i32 to index
    %get3A_808 = arith.index_cast %get3A_806 : i32 to index
    %get3A_809 = arith.constant 48 : index
    %get3A_810 = tpu.vector_load %arg10[%get3A_807, %get3A_808, %get3A_809] {strides = array<i32>} : memref<3x4x128xf32, #tpu.memory_space<vmem>>, vector<1x1x16xf32>,
    %get3A_811 = vector.shape_cast %get3A_810 : vector<1x1x16xf32> to vector<16xf32>
    %add3A_812 = arith.addf %get3A_310, %get3A_811 : vector<16xf32>
    %get3A_813 = arith.constant 1 : i32
    %get3A_814 = arith.constant 2 : i32
    %get3A_815 = arith.index_cast %get3A_813 : i32 to index
    %get3A_816 = arith.index_cast %get3A_814 : i32 to index
    %get3A_817 = arith.constant 48 : index
    %get3A_818 = tpu.vector_load %arg10[%get3A_815, %get3A_816, %get3A_817] {strides = array<i32>} : memref<3x4x128xf32, #tpu.memory_space<vmem>>, vector<1x1x16xf32>,
    %get3A_819 = vector.shape_cast %get3A_818 : vector<1x1x16xf32> to vector<16xf32>
    %add3A_820 = arith.addf %add3A_812, %get3A_819 : vector<16xf32>
    %get3A_821 = arith.constant 2 : i32
    %get3A_822 = arith.constant 2 : i32
    %get3A_823 = arith.index_cast %get3A_821 : i32 to index
    %get3A_824 = arith.index_cast %get3A_822 : i32 to index
    %get3A_825 = arith.constant 48 : index
    %get3A_826 = tpu.vector_load %arg10[%get3A_823, %get3A_824, %get3A_825] {strides = array<i32>} : memref<3x4x128xf32, #tpu.memory_space<vmem>>, vector<1x1x16xf32>,
    %get3A_827 = vector.shape_cast %get3A_826 : vector<1x1x16xf32> to vector<16xf32>
    %sub3A_828 = arith.subf %add3A_820, %get3A_827 : vector<16xf32>
    %mul3A_829 = arith.mulf %sub3A_828, %sub3A_828 : vector<16xf32>
    %add3A_830 = arith.addf %add3A_804, %mul3A_829 : vector<16xf32>
    %get3A_831 = arith.constant 0 : i32
    %get3A_832 = arith.constant 2 : i32
    %get3A_833 = arith.index_cast %get3A_831 : i32 to index
    %get3A_834 = arith.index_cast %get3A_832 : i32 to index
    %get3A_835 = arith.constant 64 : index
    %get3A_836 = tpu.vector_load %arg10[%get3A_833, %get3A_834, %get3A_835] {strides = array<i32>} : memref<3x4x128xf32, #tpu.memory_space<vmem>>, vector<1x1x16xf32>,
    %get3A_837 = vector.shape_cast %get3A_836 : vector<1x1x16xf32> to vector<16xf32>
    %add3A_838 = arith.addf %get3A_310, %get3A_837 : vector<16xf32>
    %get3A_839 = arith.constant 1 : i32
    %get3A_840 = arith.constant 2 : i32
    %get3A_841 = arith.index_cast %get3A_839 : i32 to index
    %get3A_842 = arith.index_cast %get3A_840 : i32 to index
    %get3A_843 = arith.constant 64 : index
    %get3A_844 = tpu.vector_load %arg10[%get3A_841, %get3A_842, %get3A_843] {strides = array<i32>} : memref<3x4x128xf32, #tpu.memory_space<vmem>>, vector<1x1x16xf32>,
    %get3A_845 = vector.shape_cast %get3A_844 : vector<1x1x16xf32> to vector<16xf32>
    %add3A_846 = arith.addf %add3A_838, %get3A_845 : vector<16xf32>
    %get3A_847 = arith.constant 2 : i32
    %get3A_848 = arith.constant 2 : i32
    %get3A_849 = arith.index_cast %get3A_847 : i32 to index
    %get3A_850 = arith.index_cast %get3A_848 : i32 to index
    %get3A_851 = arith.constant 64 : index
    %get3A_852 = tpu.vector_load %arg10[%get3A_849, %get3A_850, %get3A_851] {strides = array<i32>} : memref<3x4x128xf32, #tpu.memory_space<vmem>>, vector<1x1x16xf32>,
    %get3A_853 = vector.shape_cast %get3A_852 : vector<1x1x16xf32> to vector<16xf32>
    %sub3A_854 = arith.subf %add3A_846, %get3A_853 : vector<16xf32>
    %mul3A_855 = arith.mulf %sub3A_854, %sub3A_854 : vector<16xf32>
    %add3A_856 = arith.addf %add3A_830, %mul3A_855 : vector<16xf32>
    %get3A_857 = arith.constant 0 : i32
    %get3A_858 = arith.constant 2 : i32
    %get3A_859 = arith.index_cast %get3A_857 : i32 to index
    %get3A_860 = arith.index_cast %get3A_858 : i32 to index
    %get3A_861 = arith.constant 80 : index
    %get3A_862 = tpu.vector_load %arg10[%get3A_859, %get3A_860, %get3A_861] {strides = array<i32>} : memref<3x4x128xf32, #tpu.memory_space<vmem>>, vector<1x1x16xf32>,
    %get3A_863 = vector.shape_cast %get3A_862 : vector<1x1x16xf32> to vector<16xf32>
    %add3A_864 = arith.addf %get3A_310, %get3A_863 : vector<16xf32>
    %get3A_865 = arith.constant 1 : i32
    %get3A_866 = arith.constant 2 : i32
    %get3A_867 = arith.index_cast %get3A_865 : i32 to index
    %get3A_868 = arith.index_cast %get3A_866 : i32 to index
    %get3A_869 = arith.constant 80 : index
    %get3A_870 = tpu.vector_load %arg10[%get3A_867, %get3A_868, %get3A_869] {strides = array<i32>} : memref<3x4x128xf32, #tpu.memory_space<vmem>>, vector<1x1x16xf32>,
    %get3A_871 = vector.shape_cast %get3A_870 : vector<1x1x16xf32> to vector<16xf32>
    %add3A_872 = arith.addf %add3A_864, %get3A_871 : vector<16xf32>
    %get3A_873 = arith.constant 2 : i32
    %get3A_874 = arith.constant 2 : i32
    %get3A_875 = arith.index_cast %get3A_873 : i32 to index
    %get3A_876 = arith.index_cast %get3A_874 : i32 to index
    %get3A_877 = arith.constant 80 : index
    %get3A_878 = tpu.vector_load %arg10[%get3A_875, %get3A_876, %get3A_877] {strides = array<i32>} : memref<3x4x128xf32, #tpu.memory_space<vmem>>, vector<1x1x16xf32>,
    %get3A_879 = vector.shape_cast %get3A_878 : vector<1x1x16xf32> to vector<16xf32>
    %sub3A_880 = arith.subf %add3A_872, %get3A_879 : vector<16xf32>
    %mul3A_881 = arith.mulf %sub3A_880, %sub3A_880 : vector<16xf32>
    %add3A_882 = arith.addf %add3A_856, %mul3A_881 : vector<16xf32>
    %get3A_883 = arith.constant 0 : i32
    %get3A_884 = arith.constant 2 : i32
    %get3A_885 = arith.index_cast %get3A_883 : i32 to index
    %get3A_886 = arith.index_cast %get3A_884 : i32 to index
    %get3A_887 = arith.constant 96 : index
    %get3A_888 = tpu.vector_load %arg10[%get3A_885, %get3A_886, %get3A_887] {strides = array<i32>} : memref<3x4x128xf32, #tpu.memory_space<vmem>>, vector<1x1x16xf32>,
    %get3A_889 = vector.shape_cast %get3A_888 : vector<1x1x16xf32> to vector<16xf32>
    %add3A_890 = arith.addf %get3A_310, %get3A_889 : vector<16xf32>
    %get3A_891 = arith.constant 1 : i32
    %get3A_892 = arith.constant 2 : i32
    %get3A_893 = arith.index_cast %get3A_891 : i32 to index
    %get3A_894 = arith.index_cast %get3A_892 : i32 to index
    %get3A_895 = arith.constant 96 : index
    %get3A_896 = tpu.vector_load %arg10[%get3A_893, %get3A_894, %get3A_895] {strides = array<i32>} : memref<3x4x128xf32, #tpu.memory_space<vmem>>, vector<1x1x16xf32>,
    %get3A_897 = vector.shape_cast %get3A_896 : vector<1x1x16xf32> to vector<16xf32>
    %add3A_898 = arith.addf %add3A_890, %get3A_897 : vector<16xf32>
    %get3A_899 = arith.constant 2 : i32
    %get3A_900 = arith.constant 2 : i32
    %get3A_901 = arith.index_cast %get3A_899 : i32 to index
    %get3A_902 = arith.index_cast %get3A_900 : i32 to index
    %get3A_903 = arith.constant 96 : index
    %get3A_904 = tpu.vector_load %arg10[%get3A_901, %get3A_902, %get3A_903] {strides = array<i32>} : memref<3x4x128xf32, #tpu.memory_space<vmem>>, vector<1x1x16xf32>,
    %get3A_905 = vector.shape_cast %get3A_904 : vector<1x1x16xf32> to vector<16xf32>
    %sub3A_906 = arith.subf %add3A_898, %get3A_905 : vector<16xf32>
    %mul3A_907 = arith.mulf %sub3A_906, %sub3A_906 : vector<16xf32>
    %add3A_908 = arith.addf %add3A_882, %mul3A_907 : vector<16xf32>
    %get3A_909 = arith.constant 0 : i32
    %get3A_910 = arith.constant 2 : i32
    %get3A_911 = arith.index_cast %get3A_909 : i32 to index
    %get3A_912 = arith.index_cast %get3A_910 : i32 to index
    %get3A_913 = arith.constant 112 : index
    %get3A_914 = tpu.vector_load %arg10[%get3A_911, %get3A_912, %get3A_913] {strides = array<i32>} : memref<3x4x128xf32, #tpu.memory_space<vmem>>, vector<1x1x16xf32>,
    %get3A_915 = vector.shape_cast %get3A_914 : vector<1x1x16xf32> to vector<16xf32>
    %add3A_916 = arith.addf %get3A_310, %get3A_915 : vector<16xf32>
    %get3A_917 = arith.constant 1 : i32
    %get3A_918 = arith.constant 2 : i32
    %get3A_919 = arith.index_cast %get3A_917 : i32 to index
    %get3A_920 = arith.index_cast %get3A_918 : i32 to index
    %get3A_921 = arith.constant 112 : index
    %get3A_922 = tpu.vector_load %arg10[%get3A_919, %get3A_920, %get3A_921] {strides = array<i32>} : memref<3x4x128xf32, #tpu.memory_space<vmem>>, vector<1x1x16xf32>,
    %get3A_923 = vector.shape_cast %get3A_922 : vector<1x1x16xf32> to vector<16xf32>
    %add3A_924 = arith.addf %add3A_916, %get3A_923 : vector<16xf32>
    %get3A_925 = arith.constant 2 : i32
    %get3A_926 = arith.constant 2 : i32
    %get3A_927 = arith.index_cast %get3A_925 : i32 to index
    %get3A_928 = arith.index_cast %get3A_926 : i32 to index
    %get3A_929 = arith.constant 112 : index
    %get3A_930 = tpu.vector_load %arg10[%get3A_927, %get3A_928, %get3A_929] {strides = array<i32>} : memref<3x4x128xf32, #tpu.memory_space<vmem>>, vector<1x1x16xf32>,
    %get3A_931 = vector.shape_cast %get3A_930 : vector<1x1x16xf32> to vector<16xf32>
    %sub3A_932 = arith.subf %add3A_924, %get3A_931 : vector<16xf32>
    %mul3A_933 = arith.mulf %sub3A_932, %sub3A_932 : vector<16xf32>
    %add3A_934 = arith.addf %add3A_908, %mul3A_933 : vector<16xf32>
    %get3A_935 = arith.constant 0 : i32
    %get3A_936 = arith.constant 3 : i32
    %get3A_937 = arith.index_cast %get3A_935 : i32 to index
    %get3A_938 = arith.index_cast %get3A_936 : i32 to index
    %get3A_939 = arith.constant 0 : index
    %get3A_940 = tpu.vector_load %arg10[%get3A_937, %get3A_938, %get3A_939] {strides = array<i32>} : memref<3x4x128xf32, #tpu.memory_space<vmem>>, vector<1x1x16xf32>,
    %get3A_941 = vector.shape_cast %get3A_940 : vector<1x1x16xf32> to vector<16xf32>
    %add3A_942 = arith.addf %get3A_310, %get3A_941 : vector<16xf32>
    %get3A_943 = arith.constant 1 : i32
    %get3A_944 = arith.constant 3 : i32
    %get3A_945 = arith.index_cast %get3A_943 : i32 to index
    %get3A_946 = arith.index_cast %get3A_944 : i32 to index
    %get3A_947 = arith.constant 0 : index
    %get3A_948 = tpu.vector_load %arg10[%get3A_945, %get3A_946, %get3A_947] {strides = array<i32>} : memref<3x4x128xf32, #tpu.memory_space<vmem>>, vector<1x1x16xf32>,
    %get3A_949 = vector.shape_cast %get3A_948 : vector<1x1x16xf32> to vector<16xf32>
    %add3A_950 = arith.addf %add3A_942, %get3A_949 : vector<16xf32>
    %get3A_951 = arith.constant 2 : i32
    %get3A_952 = arith.constant 3 : i32
    %get3A_953 = arith.index_cast %get3A_951 : i32 to index
    %get3A_954 = arith.index_cast %get3A_952 : i32 to index
    %get3A_955 = arith.constant 0 : index
    %get3A_956 = tpu.vector_load %arg10[%get3A_953, %get3A_954, %get3A_955] {strides = array<i32>} : memref<3x4x128xf32, #tpu.memory_space<vmem>>, vector<1x1x16xf32>,
    %get3A_957 = vector.shape_cast %get3A_956 : vector<1x1x16xf32> to vector<16xf32>
    %sub3A_958 = arith.subf %add3A_950, %get3A_957 : vector<16xf32>
    %mul3A_959 = arith.mulf %sub3A_958, %sub3A_958 : vector<16xf32>
    %add3A_960 = arith.addf %add3A_934, %mul3A_959 : vector<16xf32>
    %get3A_961 = arith.constant 0 : i32
    %get3A_962 = arith.constant 3 : i32
    %get3A_963 = arith.index_cast %get3A_961 : i32 to index
    %get3A_964 = arith.index_cast %get3A_962 : i32 to index
    %get3A_965 = arith.constant 16 : index
    %get3A_966 = tpu.vector_load %arg10[%get3A_963, %get3A_964, %get3A_965] {strides = array<i32>} : memref<3x4x128xf32, #tpu.memory_space<vmem>>, vector<1x1x16xf32>,
    %get3A_967 = vector.shape_cast %get3A_966 : vector<1x1x16xf32> to vector<16xf32>
    %add3A_968 = arith.addf %get3A_310, %get3A_967 : vector<16xf32>
    %get3A_969 = arith.constant 1 : i32
    %get3A_970 = arith.constant 3 : i32
    %get3A_971 = arith.index_cast %get3A_969 : i32 to index
    %get3A_972 = arith.index_cast %get3A_970 : i32 to index
    %get3A_973 = arith.constant 16 : index
    %get3A_974 = tpu.vector_load %arg10[%get3A_971, %get3A_972, %get3A_973] {strides = array<i32>} : memref<3x4x128xf32, #tpu.memory_space<vmem>>, vector<1x1x16xf32>,
    %get3A_975 = vector.shape_cast %get3A_974 : vector<1x1x16xf32> to vector<16xf32>
    %add3A_976 = arith.addf %add3A_968, %get3A_975 : vector<16xf32>
    %get3A_977 = arith.constant 2 : i32
    %get3A_978 = arith.constant 3 : i32
    %get3A_979 = arith.index_cast %get3A_977 : i32 to index
    %get3A_980 = arith.index_cast %get3A_978 : i32 to index
    %get3A_981 = arith.constant 16 : index
    %get3A_982 = tpu.vector_load %arg10[%get3A_979, %get3A_980, %get3A_981] {strides = array<i32>} : memref<3x4x128xf32, #tpu.memory_space<vmem>>, vector<1x1x16xf32>,
    %get3A_983 = vector.shape_cast %get3A_982 : vector<1x1x16xf32> to vector<16xf32>
    %sub3A_984 = arith.subf %add3A_976, %get3A_983 : vector<16xf32>
    %mul3A_985 = arith.mulf %sub3A_984, %sub3A_984 : vector<16xf32>
    %add3A_986 = arith.addf %add3A_960, %mul3A_985 : vector<16xf32>
    %get3A_987 = arith.constant 0 : i32
    %get3A_988 = arith.constant 3 : i32
    %get3A_989 = arith.index_cast %get3A_987 : i32 to index
    %get3A_990 = arith.index_cast %get3A_988 : i32 to index
    %get3A_991 = arith.constant 32 : index
    %get3A_992 = tpu.vector_load %arg10[%get3A_989, %get3A_990, %get3A_991] {strides = array<i32>} : memref<3x4x128xf32, #tpu.memory_space<vmem>>, vector<1x1x16xf32>,
    %get3A_993 = vector.shape_cast %get3A_992 : vector<1x1x16xf32> to vector<16xf32>
    %add3A_994 = arith.addf %get3A_310, %get3A_993 : vector<16xf32>
    %get3A_995 = arith.constant 1 : i32
    %get3A_996 = arith.constant 3 : i32
    %get3A_997 = arith.index_cast %get3A_995 : i32 to index
    %get3A_998 = arith.index_cast %get3A_996 : i32 to index
    %get3A_999 = arith.constant 32 : index
    %get3A_1000 = tpu.vector_load %arg10[%get3A_997, %get3A_998, %get3A_999] {strides = array<i32>} : memref<3x4x128xf32, #tpu.memory_space<vmem>>, vector<1x1x16xf32>,
    %get3A_1001 = vector.shape_cast %get3A_1000 : vector<1x1x16xf32> to vector<16xf32>
    %add3A_1002 = arith.addf %add3A_994, %get3A_1001 : vector<16xf32>
    %get3A_1003 = arith.constant 2 : i32
    %get3A_1004 = arith.constant 3 : i32
    %get3A_1005 = arith.index_cast %get3A_1003 : i32 to index
    %get3A_1006 = arith.index_cast %get3A_1004 : i32 to index
    %get3A_1007 = arith.constant 32 : index
    %get3A_1008 = tpu.vector_load %arg10[%get3A_1005, %get3A_1006, %get3A_1007] {strides = array<i32>} : memref<3x4x128xf32, #tpu.memory_space<vmem>>, vector<1x1x16xf32>,
    %get3A_1009 = vector.shape_cast %get3A_1008 : vector<1x1x16xf32> to vector<16xf32>
    %sub3A_1010 = arith.subf %add3A_1002, %get3A_1009 : vector<16xf32>
    %mul3A_1011 = arith.mulf %sub3A_1010, %sub3A_1010 : vector<16xf32>
    %add3A_1012 = arith.addf %add3A_986, %mul3A_1011 : vector<16xf32>
    %get3A_1013 = arith.constant 0 : i32
    %get3A_1014 = arith.constant 3 : i32
    %get3A_1015 = arith.index_cast %get3A_1013 : i32 to index
    %get3A_1016 = arith.index_cast %get3A_1014 : i32 to index
    %get3A_1017 = arith.constant 48 : index
    %get3A_1018 = tpu.vector_load %arg10[%get3A_1015, %get3A_1016, %get3A_1017] {strides = array<i32>} : memref<3x4x128xf32, #tpu.memory_space<vmem>>, vector<1x1x16xf32>,
    %get3A_1019 = vector.shape_cast %get3A_1018 : vector<1x1x16xf32> to vector<16xf32>
    %add3A_1020 = arith.addf %get3A_310, %get3A_1019 : vector<16xf32>
    %get3A_1021 = arith.constant 1 : i32
    %get3A_1022 = arith.constant 3 : i32
    %get3A_1023 = arith.index_cast %get3A_1021 : i32 to index
    %get3A_1024 = arith.index_cast %get3A_1022 : i32 to index
    %get3A_1025 = arith.constant 48 : index
    %get3A_1026 = tpu.vector_load %arg10[%get3A_1023, %get3A_1024, %get3A_1025] {strides = array<i32>} : memref<3x4x128xf32, #tpu.memory_space<vmem>>, vector<1x1x16xf32>,
    %get3A_1027 = vector.shape_cast %get3A_1026 : vector<1x1x16xf32> to vector<16xf32>
    %add3A_1028 = arith.addf %add3A_1020, %get3A_1027 : vector<16xf32>
    %get3A_1029 = arith.constant 2 : i32
    %get3A_1030 = arith.constant 3 : i32
    %get3A_1031 = arith.index_cast %get3A_1029 : i32 to index
    %get3A_1032 = arith.index_cast %get3A_1030 : i32 to index
    %get3A_1033 = arith.constant 48 : index
    %get3A_1034 = tpu.vector_load %arg10[%get3A_1031, %get3A_1032, %get3A_1033] {strides = array<i32>} : memref<3x4x128xf32, #tpu.memory_space<vmem>>, vector<1x1x16xf32>,
    %get3A_1035 = vector.shape_cast %get3A_1034 : vector<1x1x16xf32> to vector<16xf32>
    %sub3A_1036 = arith.subf %add3A_1028, %get3A_1035 : vector<16xf32>
    %mul3A_1037 = arith.mulf %sub3A_1036, %sub3A_1036 : vector<16xf32>
    %add3A_1038 = arith.addf %add3A_1012, %mul3A_1037 : vector<16xf32>
    %get3A_1039 = arith.constant 0 : i32
    %get3A_1040 = arith.constant 3 : i32
    %get3A_1041 = arith.index_cast %get3A_1039 : i32 to index
    %get3A_1042 = arith.index_cast %get3A_1040 : i32 to index
    %get3A_1043 = arith.constant 64 : index
    %get3A_1044 = tpu.vector_load %arg10[%get3A_1041, %get3A_1042, %get3A_1043] {strides = array<i32>} : memref<3x4x128xf32, #tpu.memory_space<vmem>>, vector<1x1x16xf32>,
    %get3A_1045 = vector.shape_cast %get3A_1044 : vector<1x1x16xf32> to vector<16xf32>
    %add3A_1046 = arith.addf %get3A_310, %get3A_1045 : vector<16xf32>
    %get3A_1047 = arith.constant 1 : i32
    %get3A_1048 = arith.constant 3 : i32
    %get3A_1049 = arith.index_cast %get3A_1047 : i32 to index
    %get3A_1050 = arith.index_cast %get3A_1048 : i32 to index
    %get3A_1051 = arith.constant 64 : index
    %get3A_1052 = tpu.vector_load %arg10[%get3A_1049, %get3A_1050, %get3A_1051] {strides = array<i32>} : memref<3x4x128xf32, #tpu.memory_space<vmem>>, vector<1x1x16xf32>,
    %get3A_1053 = vector.shape_cast %get3A_1052 : vector<1x1x16xf32> to vector<16xf32>
    %add3A_1054 = arith.addf %add3A_1046, %get3A_1053 : vector<16xf32>
    %get3A_1055 = arith.constant 2 : i32
    %get3A_1056 = arith.constant 3 : i32
    %get3A_1057 = arith.index_cast %get3A_1055 : i32 to index
    %get3A_1058 = arith.index_cast %get3A_1056 : i32 to index
    %get3A_1059 = arith.constant 64 : index
    %get3A_1060 = tpu.vector_load %arg10[%get3A_1057, %get3A_1058, %get3A_1059] {strides = array<i32>} : memref<3x4x128xf32, #tpu.memory_space<vmem>>, vector<1x1x16xf32>,
    %get3A_1061 = vector.shape_cast %get3A_1060 : vector<1x1x16xf32> to vector<16xf32>
    %sub3A_1062 = arith.subf %add3A_1054, %get3A_1061 : vector<16xf32>
    %mul3A_1063 = arith.mulf %sub3A_1062, %sub3A_1062 : vector<16xf32>
    %add3A_1064 = arith.addf %add3A_1038, %mul3A_1063 : vector<16xf32>
    %get3A_1065 = arith.constant 0 : i32
    %get3A_1066 = arith.constant 3 : i32
    %get3A_1067 = arith.index_cast %get3A_1065 : i32 to index
    %get3A_1068 = arith.index_cast %get3A_1066 : i32 to index
    %get3A_1069 = arith.constant 80 : index
    %get3A_1070 = tpu.vector_load %arg10[%get3A_1067, %get3A_1068, %get3A_1069] {strides = array<i32>} : memref<3x4x128xf32, #tpu.memory_space<vmem>>, vector<1x1x16xf32>,
    %get3A_1071 = vector.shape_cast %get3A_1070 : vector<1x1x16xf32> to vector<16xf32>
    %add3A_1072 = arith.addf %get3A_310, %get3A_1071 : vector<16xf32>
    %get3A_1073 = arith.constant 1 : i32
    %get3A_1074 = arith.constant 3 : i32
    %get3A_1075 = arith.index_cast %get3A_1073 : i32 to index
    %get3A_1076 = arith.index_cast %get3A_1074 : i32 to index
    %get3A_1077 = arith.constant 80 : index
    %get3A_1078 = tpu.vector_load %arg10[%get3A_1075, %get3A_1076, %get3A_1077] {strides = array<i32>} : memref<3x4x128xf32, #tpu.memory_space<vmem>>, vector<1x1x16xf32>,
    %get3A_1079 = vector.shape_cast %get3A_1078 : vector<1x1x16xf32> to vector<16xf32>
    %add3A_1080 = arith.addf %add3A_1072, %get3A_1079 : vector<16xf32>
    %get3A_1081 = arith.constant 2 : i32
    %get3A_1082 = arith.constant 3 : i32
    %get3A_1083 = arith.index_cast %get3A_1081 : i32 to index
    %get3A_1084 = arith.index_cast %get3A_1082 : i32 to index
    %get3A_1085 = arith.constant 80 : index
    %get3A_1086 = tpu.vector_load %arg10[%get3A_1083, %get3A_1084, %get3A_1085] {strides = array<i32>} : memref<3x4x128xf32, #tpu.memory_space<vmem>>, vector<1x1x16xf32>,
    %get3A_1087 = vector.shape_cast %get3A_1086 : vector<1x1x16xf32> to vector<16xf32>
    %sub3A_1088 = arith.subf %add3A_1080, %get3A_1087 : vector<16xf32>
    %mul3A_1089 = arith.mulf %sub3A_1088, %sub3A_1088 : vector<16xf32>
    %add3A_1090 = arith.addf %add3A_1064, %mul3A_1089 : vector<16xf32>
    %get3A_1091 = arith.constant 0 : i32
    %get3A_1092 = arith.constant 3 : i32
    %get3A_1093 = arith.index_cast %get3A_1091 : i32 to index
    %get3A_1094 = arith.index_cast %get3A_1092 : i32 to index
    %get3A_1095 = arith.constant 96 : index
    %get3A_1096 = tpu.vector_load %arg10[%get3A_1093, %get3A_1094, %get3A_1095] {strides = array<i32>} : memref<3x4x128xf32, #tpu.memory_space<vmem>>, vector<1x1x16xf32>,
    %get3A_1097 = vector.shape_cast %get3A_1096 : vector<1x1x16xf32> to vector<16xf32>
    %add3A_1098 = arith.addf %get3A_310, %get3A_1097 : vector<16xf32>
    %get3A_1099 = arith.constant 1 : i32
    %get3A_1100 = arith.constant 3 : i32
    %get3A_1101 = arith.index_cast %get3A_1099 : i32 to index
    %get3A_1102 = arith.index_cast %get3A_1100 : i32 to index
    %get3A_1103 = arith.constant 96 : index
    %get3A_1104 = tpu.vector_load %arg10[%get3A_1101, %get3A_1102, %get3A_1103] {strides = array<i32>} : memref<3x4x128xf32, #tpu.memory_space<vmem>>, vector<1x1x16xf32>,
    %get3A_1105 = vector.shape_cast %get3A_1104 : vector<1x1x16xf32> to vector<16xf32>
    %add3A_1106 = arith.addf %add3A_1098, %get3A_1105 : vector<16xf32>
    %get3A_1107 = arith.constant 2 : i32
    %get3A_1108 = arith.constant 3 : i32
    %get3A_1109 = arith.index_cast %get3A_1107 : i32 to index
    %get3A_1110 = arith.index_cast %get3A_1108 : i32 to index
    %get3A_1111 = arith.constant 96 : index
    %get3A_1112 = tpu.vector_load %arg10[%get3A_1109, %get3A_1110, %get3A_1111] {strides = array<i32>} : memref<3x4x128xf32, #tpu.memory_space<vmem>>, vector<1x1x16xf32>,
    %get3A_1113 = vector.shape_cast %get3A_1112 : vector<1x1x16xf32> to vector<16xf32>
    %sub3A_1114 = arith.subf %add3A_1106, %get3A_1113 : vector<16xf32>
    %mul3A_1115 = arith.mulf %sub3A_1114, %sub3A_1114 : vector<16xf32>
    %add3A_1116 = arith.addf %add3A_1090, %mul3A_1115 : vector<16xf32>
    %get3A_1117 = arith.constant 0 : i32
    %get3A_1118 = arith.constant 3 : i32
    %get3A_1119 = arith.index_cast %get3A_1117 : i32 to index
    %get3A_1120 = arith.index_cast %get3A_1118 : i32 to index
    %get3A_1121 = arith.constant 112 : index
    %get3A_1122 = tpu.vector_load %arg10[%get3A_1119, %get3A_1120, %get3A_1121] {strides = array<i32>} : memref<3x4x128xf32, #tpu.memory_space<vmem>>, vector<1x1x16xf32>,
    %get3A_1123 = vector.shape_cast %get3A_1122 : vector<1x1x16xf32> to vector<16xf32>
    %add3A_1124 = arith.addf %get3A_310, %get3A_1123 : vector<16xf32>
    %get3A_1125 = arith.constant 1 : i32
    %get3A_1126 = arith.constant 3 : i32
    %get3A_1127 = arith.index_cast %get3A_1125 : i32 to index
    %get3A_1128 = arith.index_cast %get3A_1126 : i32 to index
    %get3A_1129 = arith.constant 112 : index
    %get3A_1130 = tpu.vector_load %arg10[%get3A_1127, %get3A_1128, %get3A_1129] {strides = array<i32>} : memref<3x4x128xf32, #tpu.memory_space<vmem>>, vector<1x1x16xf32>,
    %get3A_1131 = vector.shape_cast %get3A_1130 : vector<1x1x16xf32> to vector<16xf32>
    %add3A_1132 = arith.addf %add3A_1124, %get3A_1131 : vector<16xf32>
    %get3A_1133 = arith.constant 2 : i32
    %get3A_1134 = arith.constant 3 : i32
    %get3A_1135 = arith.index_cast %get3A_1133 : i32 to index
    %get3A_1136 = arith.index_cast %get3A_1134 : i32 to index
    %get3A_1137 = arith.constant 112 : index
    %get3A_1138 = tpu.vector_load %arg10[%get3A_1135, %get3A_1136, %get3A_1137] {strides = array<i32>} : memref<3x4x128xf32, #tpu.memory_space<vmem>>, vector<1x1x16xf32>,
    %get3A_1139 = vector.shape_cast %get3A_1138 : vector<1x1x16xf32> to vector<16xf32>
    %sub3A_1140 = arith.subf %add3A_1132, %get3A_1139 : vector<16xf32>
    %mul3A_1141 = arith.mulf %sub3A_1140, %sub3A_1140 : vector<16xf32>
    %add3A_1142 = arith.addf %add3A_1116, %mul3A_1141 : vector<16xf32>
    %mul3A_1143 = arith.constant 3.05175781E-5 : f32
    %mul3A_1144 = vector.broadcast %mul3A_1143 : f32 to vector<16xf32>
    %mul3A_1145 = arith.mulf %add3A_1142, %mul3A_1144 : vector<16xf32>
    %swap3A = arith.constant 1 : i32
    %swap3A_1146 = arith.index_cast %swap3A : i32 to index
    %swap3A_1147 = arith.constant 0 : index
    %swap3A_1148 = tpu.vector_load %arg11[%swap3A_1146, %swap3A_1147] {strides = array<i32>} : memref<2x16xf32, #tpu.memory_space<vmem>>, vector<1x16xf32>,
    %swap3A_1149 = vector.shape_cast %swap3A_1148 : vector<1x16xf32> to vector<16xf32>
    %swap3A_1150 = vector.shape_cast %mul3A_1145 : vector<16xf32> to vector<1x16xf32>
    tpu.vector_store %arg11[%swap3A_1146, %swap3A_1147], %swap3A_1150 {strides = array<i32>} : memref<2x16xf32, #tpu.memory_space<vmem>>, vector<1x16xf32>,
    %mul3A_1151 = arith.constant 16 : i32
    %mul3A_1152 = arith.muli %add3A, %mul3A_1151 : i32
    %run_scoped3A = arith.constant 1 : i32
    "tpu.region"() ({
      %run_scoped3A_1153 = tpu.sem_alloc : memref<!tpu.dma_semaphore, #tpu.memory_space<semaphore_mem>>
      %dma_start3A_1154 = arith.constant 0 : i32
      %dma_start3A_1155 = tpu.memref_slice %arg11[%run_scoped3A, %dma_start3A_1154] : memref<2x16xf32, #tpu.memory_space<vmem>> -> memref<1x16xf32, #tpu.memory_space<vmem>>
      %dma_start3A_1156 = tpu.memref_squeeze %dma_start3A_1155 : memref<1x16xf32, #tpu.memory_space<vmem>> -> memref<16xf32, #tpu.memory_space<vmem>>
      %dma_start3A_1157 = tpu.memref_slice %arg8[%mul3A_1152] : memref<512xf32, #tpu.memory_space<hbm>> -> memref<16xf32, #tpu.memory_space<hbm>>
      %dma_start3A_1158 = tpu.memref_slice %arg8[%mul3A_1152] : memref<512xf32, #tpu.memory_space<hbm>> -> memref<16xf32, #tpu.memory_space<hbm>>
      %dma_start3A_1159 = arith.constant 0 : i32
      %dma_start3A_1160 = tpu.memref_slice %arg11[%run_scoped3A, %dma_start3A_1159] : memref<2x16xf32, #tpu.memory_space<vmem>> -> memref<1x16xf32, #tpu.memory_space<vmem>>
      %dma_start3A_1161 = tpu.memref_squeeze %dma_start3A_1160 : memref<1x16xf32, #tpu.memory_space<vmem>> -> memref<16xf32, #tpu.memory_space<vmem>>
      tpu.enqueue_dma source(%dma_start3A_1161 : memref<16xf32, #tpu.memory_space<vmem>>) target(%dma_start3A_1158 : memref<16xf32, #tpu.memory_space<hbm>>) target_semaphore(%run_scoped3A_1153 : memref<!tpu.dma_semaphore, #tpu.memory_space<semaphore_mem>>)
      %dma_wait3A_1162 = arith.constant 0 : i32
      %dma_wait3A_1163 = tpu.memref_slice %arg11[%run_scoped3A, %dma_wait3A_1162] : memref<2x16xf32, #tpu.memory_space<vmem>> -> memref<1x16xf32, #tpu.memory_space<vmem>>
      %dma_wait3A_1164 = tpu.memref_squeeze %dma_wait3A_1163 : memref<1x16xf32, #tpu.memory_space<vmem>> -> memref<16xf32, #tpu.memory_space<vmem>>
      %dma_wait3A_1165 = tpu.memref_slice %arg8[%mul3A_1152] : memref<512xf32, #tpu.memory_space<hbm>> -> memref<16xf32, #tpu.memory_space<hbm>>
      %dma_wait3A_1166 = tpu.memref_slice %arg8[%mul3A_1152] : memref<512xf32, #tpu.memory_space<hbm>> -> memref<16xf32, #tpu.memory_space<hbm>>
      %dma_wait3A_1167 = arith.constant 0 : i32
      %dma_wait3A_1168 = tpu.memref_slice %arg11[%run_scoped3A, %dma_wait3A_1167] : memref<2x16xf32, #tpu.memory_space<vmem>> -> memref<1x16xf32, #tpu.memory_space<vmem>>
      %dma_wait3A_1169 = tpu.memref_squeeze %dma_wait3A_1168 : memref<1x16xf32, #tpu.memory_space<vmem>> -> memref<16xf32, #tpu.memory_space<vmem>>
      tpu.wait_dma2 semaphore(%run_scoped3A_1153 : memref<!tpu.dma_semaphore, #tpu.memory_space<semaphore_mem>>) src(%dma_wait3A_1169 : memref<16xf32, #tpu.memory_space<vmem>>) dst(%dma_wait3A_1166 : memref<16xf32, #tpu.memory_space<hbm>>)
      tpu.yield
    }) : () -> ()
    return
  }
}

</mosaic_0001>

<sc_bundles>
// kernel: kernel.3.cloned.1.call-start
scs
__scs_entry_jumppad:
0x0: {  	(pc) =	sbr.rel $0x88, $3  }
0x1: {  	(tag) =	ssettag $0x0;
	lr =	simm.s32 $0x1  }
0x2: {  	[smem:$0x3F9B] =	sst lr;
	_ =	strace $0xD0000000  }
0x3: {  	_ = 	snop  }
0x4: {  	_ = 	snop  }
0x5: {  	_ = 	snop  }
0x6: {  	_ = 	snop  }
0x7: {  	_ = 	snop  }
__scs_overlays_trampoline_lowered:
0x8: {  	[smem:$0x3FAA] =	sst s0  }
0x9: {  	[smem:$0x3FAB] =	sst s1  }
0xa: {  	[smem:$0x3FAC] =	sst s2  }
0xb: {  	[smem:$0x3FAD] =	sst s3  }
0xc: {  	[smem:$0x3FAE] =	sst s4  }
0xd: {  	[smem:$0x3FAF] =	sst s5  }
0xe: {  	[smem:$0x3FB0] =	sst s6  }
0xf: {  	[smem:$0x3FB1] =	sst s7  }
0x10: {  	[smem:$0x3FB2] =	sst s8  }
0x11: {  	[smem:$0x3FB3] =	sst s9;
	s0 =	simm.s32 @!p0 $0x0  }
0x12: {  	s1 =	sld [smem:$0x3F99];
	s0 =	simm.s32 @p0 $0x1  }
0x13: {  	[smem:$0x3FB4] =	sst s0;
	s0 =	simm.s32 @!p1 $0x0  }
0x14: {  	s2 =	sld [smem:$0x3F98];
	s0 =	simm.s32 @p1 $0x1  }
0x15: {  	[smem:$0x3FB5] =	sst s0;
	s0 =	simm.s32 @!p2 $0x0  }
0x16: {  	s3 =	sld [smem:$0x3FDB];
	s0 =	simm.s32 @p2 $0x1  }
0x17: {  	s4 =	simm.s32 $0x1BF5;
	[smem:$0x3FB7] =	sst s0  }
0x18: {  	s0 =	sld [smem:$0x3F9A];
	_ =	swait.ge [sflag:s4], $0x0  }
0x19: {  	s7 =	sld [smem:$0x3F9B]  }
0x1a: {  	s8 =	sadd.s32 $0xFFFFE003, lr  }
0x1b: {  	s9 =	sadd.s32 $0xFFFFFEF7, lr;
	s5 =	simm.s32 $0xFFFFFFFF;
	p2 =	slt.u32 s8, $0xFFFFF086  }
0x1c: {  	p1 =	slt.u32 s9, $0xF7A;
	s5 =	simm.s32 @!p2 $0x0  }
0x1d: {  	s5 =	simm.s32 @p1 $0x1;
	p0 =	seq.s32 s7, s2  }
0x1e: {  	s7 =	smul.u32 @!p0 $0xF7A, s2;
	p2 =	seq.s32 @!p0 s5, $0x0  }
0x1f: {  	s9 =	smul.u32 $0xF7A, s1;
	s8 =	simm.s32 @!p0 $0x1BF5;
	p2 =	por !p2, p0  }
0x20: {  	[sflag:s8] =	ssyncset.s32 @!p0 $0xFFFFF086;
	s6 =	sadd.s32 @!p0 s3, s7;
	s7 =	simm.s32 @!p0 $0x108  }
0x21: {  	s3 =	sadd.s32 s3, s9;
	s6 =	sadd.s32 @!p0 $0x88, s6;
	s7 =	simm.s32 @p2 $0x1082  }
0x22: {  	[simem:s7], [sflag:s8] =	dma.local @!p0 [hbm:s6], $0xF7A  }
0x23: {  	s9 =	sor.u32 $0xD0000000, s2;
	s6 =	simm.s32 $0x108;
	_ =	swait.ge @!p0 [sflag:s8], $0x0  }
0x24: {  	s3 =	sadd.s32 $0x88, s3;
	s6 =	simm.s32 @!p1 $0x1082;
	[sflag:s4] =	ssyncset.s32 $0xFFFFF086  }
0x25: {  	[simem:s6], [sflag:s4] =	dma.local [hbm:s3], $0xF7A  }
0x26: {  	[smem:$0x3F9B] =	sst s1;
	(tag) =	ssettag s2;
	_ =	strace s9  }
0x27: {  	s1 =	sld [smem:$0x3FAB]  }
0x28: {  	s2 =	sld [smem:$0x3FAC]  }
0x29: {  	s4 =	sld [smem:$0x3FAE]  }
0x2a: {  	p0 =	seq.s32 s5, $0x0;
	s5 =	sld [smem:$0x3FAF]  }
0x2b: {  	s6 =	sld [smem:$0x3FB0]  }
0x2c: {  	s7 =	sld [smem:$0x3FB1]  }
0x2d: {  	s3 =	simm.s32 $0x108;
	s8 =	sld [smem:$0x3FB2]  }
0x2e: {  	s3 =	simm.s32 @!p0 $0x1082;
	s9 =	sld [smem:$0x3FB3]  }
0x2f: {  	lr =	sadd.s32 s0, s3;
	s0 =	sld [smem:$0x3FAA]  }
0x30: {  	s3 =	sld [smem:$0x3FAD]  }
0x31: {  	[smem:$0x3FB6] =	sst s10  }
0x32: {  	s10 =	sld [smem:$0x3FB4];
	_ =	sdelay $0x3  }
0x33: {  	p0 =	seq.s32 s10, $0x1;
	s10 =	sld [smem:$0x3FB6];
	_ =	sdelay $0x3  }
0x34: {  	[smem:$0x3FB6] =	sst s10  }
0x35: {  	s10 =	sld [smem:$0x3FB5];
	_ =	sdelay $0x3  }
0x36: {  	p1 =	seq.s32 s10, $0x1;
	s10 =	sld [smem:$0x3FB6];
	_ =	sdelay $0x3  }
0x37: {  	[smem:$0x3FB6] =	sst s10  }
0x38: {  	s10 =	sld [smem:$0x3FB7]  }
0x39: {  	_ = 	snop;
	(pc) =	sbr.ind lr, $3  }
0x3a: {  	_ = 	snop  }
0x3b: {  	_ = 	snop  }
0x3c: {  	p2 =	seq.s32 s10, $0x1;
	s10 =	sld [smem:$0x3FB6]  }
0x3d: {  	_ =	shalt  }
0x3e: {  	_ =	shalt  }
0x3f: {  	_ =	shalt  }
0x40: {  	_ =	shalt  }
0x41: {  	_ =	shalt  }
0x42: {  	_ =	shalt  }
0x43: {  	_ =	shalt  }
0x44: {  	_ =	shalt  }
0x45: {  	_ =	shalt  }
0x46: {  	_ =	shalt  }
0x47: {  	_ =	shalt  }
0x48: {  	_ =	shalt  }
0x49: {  	_ =	shalt  }
0x4a: {  	_ =	shalt  }
0x4b: {  	_ =	shalt  }
0x4c: {  	_ =	shalt  }
0x4d: {  	_ =	shalt  }
0x4e: {  	_ =	shalt  }
0x4f: {  	_ =	shalt  }
0x50: {  	_ =	shalt  }
0x51: {  	_ =	shalt  }
0x52: {  	_ =	shalt  }
0x53: {  	_ =	shalt  }
0x54: {  	_ =	shalt  }
0x55: {  	_ =	shalt  }
0x56: {  	_ =	shalt  }
0x57: {  	_ =	shalt  }
0x58: {  	_ =	shalt  }
0x59: {  	_ =	shalt  }
0x5a: {  	_ =	shalt  }
0x5b: {  	_ =	shalt  }
0x5c: {  	_ =	shalt  }
0x5d: {  	_ =	shalt  }
0x5e: {  	_ =	shalt  }
0x5f: {  	_ =	shalt  }
0x60: {  	_ =	shalt  }
0x61: {  	_ =	shalt  }
0x62: {  	_ =	shalt  }
0x63: {  	_ =	shalt  }
0x64: {  	_ =	shalt  }
0x65: {  	_ =	shalt  }
0x66: {  	_ =	shalt  }
0x67: {  	_ =	shalt  }
0x68: {  	_ =	shalt  }
0x69: {  	_ =	shalt  }
0x6a: {  	_ =	shalt  }
0x6b: {  	_ =	shalt  }
0x6c: {  	_ =	shalt  }
0x6d: {  	_ =	shalt  }
0x6e: {  	_ =	shalt  }
0x6f: {  	_ =	shalt  }
0x70: {  	_ =	shalt  }
0x71: {  	_ =	shalt  }
0x72: {  	_ =	shalt  }
0x73: {  	_ =	shalt  }
0x74: {  	_ =	shalt  }
0x75: {  	_ =	shalt  }
0x76: {  	_ =	shalt  }
0x77: {  	_ =	shalt  }
0x78: {  	_ =	shalt  }
0x79: {  	_ =	shalt  }
0x7a: {  	_ =	shalt  }
0x7b: {  	_ =	shalt  }
0x7c: {  	_ =	shalt  }
0x7d: {  	_ =	shalt  }
0x7e: {  	_ =	shalt  }
0x7f: {  	_ =	shalt  }
0x80: {  	_ =	shalt  }
0x81: {  	_ =	shalt  }
0x82: {  	_ =	shalt  }
0x83: {  	_ =	shalt  }
0x84: {  	_ =	shalt  }
0x85: {  	_ =	shalt  }
0x86: {  	_ =	shalt  }
0x87: {  	_ =	shalt  }
.Lfunc_end0:
.L_simem_size_0:
called_computation_lowered:
.L_overlay_start_0:
0x88: {  	s2 =	sld [smem:$0x3FD9]  }
0x89: {  	s3 =	sld [smem:$0x3FFE];
	_ =	sdelay $0x1  }
0x8a: {  	s1 =	srdreg.scid  }
0x8b: {  	s0 =	sand.u32 $0x1, s1  }
0x8c: {  	s17 =	sshll.u32 s0, $0xA;
	s2 =	sadd.s32 s3, s2  }
0x8d: {  	s2 =	sadd.s32 s2, s17  }
0x8e: {  	[smem:$0x3FC2] =	sst s2  }
0x8f: {  	_ = 	snop  }
0x90: {  	s2 =	sld [smem:$0x3FC9]  }
0x91: {  	s18 =	sld [smem:$0x3FC8]  }
0x92: {  	s4 =	sld [smem:$0x3FC7]  }
0x93: {  	s5 =	sld [smem:$0x3FC5]  }
0x94: {  	s6 =	sld [smem:$0x3FC4]  }
0x95: {  	s7 =	sld [smem:$0x3FD0];
	(tm) =	ssettm $0x1  }
0x96: {  	s8 =	sld [smem:$0x3FFB];
	_ =	sdelay $0x3  }
0x97: {  	_ =	strace s8  }
0x98: {  	s8 =	sld [smem:$0x3FFC];
	_ =	sdelay $0x3  }
0x99: {  	_ =	strace s8  }
0x9a: {  	s8 =	sld [smem:$0x3FFD];
	_ =	sdelay $0x3  }
0x9b: {  	_ =	strace s8  }
0x9c: {  	_ =	strace $0x8FFFFFFF  }
0x9d: {  	s19 =	sld [smem:$0x3FDB];
	_ =	sdelay $0x1  }
0x9e: {  	s9 =	simm.s32 $_scs_section_size  }
0x9f: {  	s10 =	simm.s32 $_size__tile_overlayer_lowered;
	s11 =	simm.s32 $_tile_overlayer_lowered  }
0xa0: {  	s22 =	simm.s32 $0x1BFF;
	s21 =	sshll.u32 s11, $0x1;
	s8 =	sadd.s32 s9, s19  }
0xa1: {  	s12 =	simm.s32 $0x0;
	s20 =	sshll.u32 s10, $0x1;
	s10 =	sadd.s32 s21, s8  }
0xa2: {  	[timem:s12], [sflag:s22] =	dma.local [hbm:s10], s20  }
0xa3: {  	_ =	swait.ge [sflag:s22], s20  }
0xa4: {  	s9 =	ssub.s32 $0x0, s20;
	[sflag:s22] =	ssyncset.done $0x0  }
0xa5: {  	[sflag:s22] =	ssyncadd.s32 s9;
	_ =	sdelay $0x1  }
0xa6: {  	s23 =	simm.s32 $0x1B8B  }
0xa7: {  	_ =	swait.ge [sflag:s23], $0x1  }
0xa8: {  	[sflag:s23] =	ssyncset.done $0x0  }
0xa9: {  	s25 =	simm.s32 $0x1B8E;
	s24 =	sld [smem:$0x3FFE];
	[sflag:s23] =	ssyncadd.s32 $0xFFFFFFFF  }
0xaa: {  	s26 =	simm.s32 $execute0_lowered;
	[smem:$0x3FD2] =	sst s25  }
0xab: {  	s10 =	sshll.u32 s26, $0x1;
	_ =	strace $0x80000046;
	[dreg:$0x1] =	wrdreg $0xFFFFFFFF  }
0xac: {  	s28 =	simm.s32 $_size_execute0_lowered;
	s8 =	sadd.s32 s8, s10;
	[dreg:$0x0] =	wrdreg $0x0  }
0xad: {  	s10 =	sshll.u32 s28, $0x1;
	[dreg:$0x2] =	wrdreg s8  }
0xae: {  	[dreg:$0x3] =	wrdreg s10  }
0xaf: {  	[dreg:$0x4] =	wrdreg $0xC0  }
0xb0: {  	_ =	task [dreg:s12], $0x5FFFF  }
0xb1: {  	[dreg:$0x1] =	wrdreg $0xFFFFFFFF  }
0xb2: {  	[dreg:$0x0] =	wrdreg $0x60  }
0xb3: {  	[dreg:$0x2] =	wrdreg s2  }
0xb4: {  	[dreg:$0x3] =	wrdreg s18  }
0xb5: {  	[dreg:$0x4] =	wrdreg s4  }
0xb6: {  	[dreg:$0x5] =	wrdreg s7  }
0xb7: {  	[dreg:$0x6] =	wrdreg s5  }
0xb8: {  	[dreg:$0x7] =	wrdreg s6  }
0xb9: {  	[dreg:$0x8] =	wrdreg s24  }
0xba: {  	[dreg:$0x9] =	wrdreg $0x9  }
0xbb: {  	_ =	task.clear_ibuf [dreg:s12], $0xAFFFF;
	_ =	strace $0x90000046  }
0xbc: {  	s29 =	simm.s32 $0x9;
	_ =	strace $0x80000048  }
0xbd: {  	_ =	swait.ge [sflag:s29], $0x1  }
0xbe: {  	[sflag:s29] =	ssyncadd.s32 $0xFFFFFFFF  }
0xbf: {  	_ =	strace $0x90000048  }
0xc0: {  	_ =	sfence  }
0xc1: {  	s30 =	sld [smem:$0x0];
	_ =	sdelay $0x2  }
0xc2: {  	s31 =	sshll.u32 s1, $0xD;
	s1 =	sshrl.u32 s1, $0x2  }
0xc3: {  	s3 =	sand.u32 $0x4000, s31;
	s1 =	sadd.s32 s1, s30  }
0xc4: {  	s0 =	sor.u32 s3, s0;
	s1 =	sshll.u32 s1, $0x11  }
0xc5: {  	s0 =	sor.u32 s1, s0  }
0xc6: {  	s0 =	sadd.s32 $0x8F2B, s0  }
0xc7: {  	[sflag:s0] =	ssyncadd.remote.s32 $0x1  }
0xc8: {  	_ =	sfence.sel $0xFFFF  }
0xc9: {  	[dreg:$0x0] =	wrdreg $0xFFFFFFFF;
	(pc) =	sbr.abs _section_cstart, $3  }
0xca: {  	[dreg:$0x1] =	wrdreg $0xFFFFFFFF  }
0xcb: {  	_ =	task.clear_ibuf [dreg:s12], $0x2FFFF;
	_ =	strace $0x9FFFFFFF  }
0xcc: {  	(tm) =	ssettm $0x7FFFFFFF  }
0xcd: {  	_ =	shalt  }
tec
execute0_lowered:
.L_overlay_start_1:
0x0: {  	(tag) =	ssettag $0x1  }
0x1: {  	s0 =	rddreg [dreg:$0x0]  }
0x2: {  	s6 =	rddreg [dreg:$0x1]  }
0x3: {  	s7 =	rddreg [dreg:$0x2]  }
0x4: {  	s1 =	rddreg [dreg:$0x3]  }
0x5: {  	s2 =	rddreg [dreg:$0x4]  }
0x6: {  	s3 =	rddreg [dreg:$0x5]  }
0x7: {  	s8 =	rddreg [dreg:$0x6]  }
0x8: {  	s4 =	srdreg.scid;
	s24 =	stileid.u32  }
0x9: {  	s12 =	simm.s32 $0xA00;
	s13 =	simm.s32 $0x1;
	s14 =	simm.s32 $0x80  }
0xa: {  	s15 =	simm.s32 $0x400;
	s16 =	simm.s32 $0x600;
	s17 =	simm.s32 $0x480  }
0xb: {  	s18 =	simm.s32 $0x280;
	s19 =	simm.s32 $0x680;
	s20 =	simm.s32 $0x100  }
0xc: {  	s21 =	simm.s32 $0x500;
	s22 =	simm.s32 $0x300;
	s23 =	simm.s32 $0x700  }
0xd: {  	s28 =	simm.s32 $0x780;
	s29 =	simm.s32 $0x2;
	s30 =	simm.s32 $0x3  }
0xe: {  	s31 =	simm.s32 $0xA80;
	[dreg:$0x8] =	wrdreg s1;
	s5 =	sand.u32 $0x1, s4  }
0xf: {  	s9 =	sshll.u32 s24, $0x1;
	s4 =	simm.s32 $0x0;
	s24 =	simm.s32 $0x180  }
0x10: {  	s10 =	ssub.s32 $0x2, s5;
	s9 =	sor.u32 s5, s9;
	[smem:$0x7FF] =	sst s4  }
0x11: {  	s25 =	sshrl.u32 s10, $0x1;
	s11 =	sshll.u32 s9, $0x6;
	_ =	strace $0x80000047  }
0x12: {  	s26 =	sshll.u32 s9, $0x1;
	s10 =	ssub.s32 s10, s25;
	s5 =	sadd.s32 s0, s11  }
0x13: {  	s6 =	sadd.s32 s6, s11;
	s7 =	sadd.s32 s7, s11;
	s8 =	sadd.s32 s8, s26  }
0x14: {  	s11 =	simm.s32 $0x800;
	s25 =	simm.s32 $0x580;
	s26 =	simm.s32 $0x380  }
0x15: {  	s0 =	simm.s32 $0x4;
	s9 =	smax.u32 s10, $0x1;
	s10 =	simm.s32 $0x200  }
.LBB2_1:
0x16: {  	[tilespmem:s4], [sflag:$0x1] =	stream.linear.gather [hbm4b:s5+s4], $0x200, $0x38;
	[tilespmem:$0xB00] =	vst v63  }
0x17: {  	_ = 	snop  }
0x18: {  	[tilespmem:s10], [sflag:$0x1] =	stream.linear.gather [hbm4b:s6+s4], $0x200, $0x38;
	[tilespmem:$0xB00] =	vst v63  }
0x19: {  	_ = 	snop  }
0x1a: {  	[tilespmem:s11], [sflag:$0x2] =	stream.linear.gather [hbm4b:s7+s4], $0x200, $0x38;
	[tilespmem:$0xB00] =	vst v63  }
0x1b: {  	s1 =	rddreg [dreg:$0x8]  }
0x1c: {  	[tilespmem:s12], [sflag:$0x2] =	stream.linear.gather [hbm4b:s1+s4], $0x80, $0x38;
	[tilespmem:$0xB00] =	vst v63  }
0x1d: {  	_ =	swait.ge [sflag:s13], $0x200  }
0x1e: {  	[sflag:s13] =	ssyncset.done $0x0  }
0x1f: {  	[sflag:s13] =	ssyncadd.s32 $0xFFFFFE00  }
0x20: {  	_ =	swait.ge [sflag:s13], $0x200  }
0x21: {  	[sflag:s13] =	ssyncset.done $0x0  }
0x22: {  	[sflag:s13] =	ssyncadd.s32 $0xFFFFFE00  }
0x23: {  	[tilespmem:s15], [sflag:$0x3] =	stream.indirect.gather [hbm4b:s2+s14], $0x1, s4, s14, $0xb8;
	[tilespmem:$0xB00] =	vst v63  }
0x24: {  	_ = 	snop  }
0x25: {  	[tilespmem:s16], [sflag:$0x3] =	stream.indirect.gather [hbm4b:s3+s14], $0x1, s10, s14, $0xb8;
	[tilespmem:$0xB00] =	vst v63  }
0x26: {  	_ = 	snop  }
0x27: {  	[tilespmem:s17], [sflag:$0x3] =	stream.indirect.gather [hbm4b:s2+s14], $0x1, s14, s14, $0xb8;
	[tilespmem:$0xB00] =	vst v63  }
0x28: {  	_ = 	snop  }
0x29: {  	[tilespmem:s19], [sflag:$0x3] =	stream.indirect.gather [hbm4b:s3+s14], $0x1, s18, s14, $0xb8;
	[tilespmem:$0xB00] =	vst v63  }
0x2a: {  	_ = 	snop  }
0x2b: {  	[tilespmem:s21], [sflag:$0x3] =	stream.indirect.gather [hbm4b:s2+s14], $0x1, s20, s14, $0xb8;
	[tilespmem:$0xB00] =	vst v63  }
0x2c: {  	_ = 	snop  }
0x2d: {  	[tilespmem:s23], [sflag:$0x3] =	stream.indirect.gather [hbm4b:s3+s14], $0x1, s22, s14, $0xb8;
	[tilespmem:$0xB00] =	vst v63  }
0x2e: {  	_ = 	snop  }
0x2f: {  	[tilespmem:s25], [sflag:$0x3] =	stream.indirect.gather [hbm4b:s2+s14], $0x1, s24, s14, $0xb8;
	[tilespmem:$0xB00] =	vst v63  }
0x30: {  	_ = 	snop  }
0x31: {  	[tilespmem:s28], [sflag:$0x3] =	stream.indirect.gather [hbm4b:s3+s14], $0x1, s26, s14, $0xb8;
	[tilespmem:$0xB00] =	vst v63  }
0x32: {  	_ =	swait.ge [sflag:s29], $0x200  }
0x33: {  	[sflag:s29] =	ssyncset.done $0x0  }
0x34: {  	[sflag:s29] =	ssyncadd.s32 $0xFFFFFE00  }
0x35: {  	_ =	swait.ge [sflag:s29], $0x80  }
0x36: {  	[sflag:s29] =	ssyncset.done $0x0  }
0x37: {  	[sflag:s29] =	ssyncadd.s32 $0xFFFFFF80  }
0x38: {  	_ =	swait.ge [sflag:s30], $0x80  }
0x39: {  	[sflag:s30] =	ssyncset.done $0x0  }
0x3a: {  	[sflag:s30] =	ssyncadd.s32 $0xFFFFFF80  }
0x3b: {  	_ =	swait.ge [sflag:s30], $0x80  }
0x3c: {  	[sflag:s30] =	ssyncset.done $0x0  }
0x3d: {  	[sflag:s30] =	ssyncadd.s32 $0xFFFFFF80  }
0x3e: {  	_ =	swait.ge [sflag:s30], $0x80  }
0x3f: {  	[sflag:s30] =	ssyncset.done $0x0  }
0x40: {  	[sflag:s30] =	ssyncadd.s32 $0xFFFFFF80  }
0x41: {  	_ =	swait.ge [sflag:s30], $0x80  }
0x42: {  	[sflag:s30] =	ssyncset.done $0x0  }
0x43: {  	[sflag:s30] =	ssyncadd.s32 $0xFFFFFF80  }
0x44: {  	_ =	swait.ge [sflag:s30], $0x80  }
0x45: {  	[sflag:s30] =	ssyncset.done $0x0  }
0x46: {  	[sflag:s30] =	ssyncadd.s32 $0xFFFFFF80  }
0x47: {  	_ =	swait.ge [sflag:s30], $0x80  }
0x48: {  	[sflag:s30] =	ssyncset.done $0x0  }
0x49: {  	[sflag:s30] =	ssyncadd.s32 $0xFFFFFF80  }
0x4a: {  	_ =	swait.ge [sflag:s30], $0x80  }
0x4b: {  	[sflag:s30] =	ssyncset.done $0x0  }
0x4c: {  	[sflag:s30] =	ssyncadd.s32 $0xFFFFFF80  }
0x4d: {  	_ =	swait.ge [sflag:s30], $0x80  }
0x4e: {  	[sflag:s30] =	ssyncset.done $0x0  }
0x4f: {  	[sflag:s30] =	ssyncadd.s32 $0xFFFFFF80  }
0x50: {  	v0 =	vld [tilespmem:$0xA00]  }
0x51: {  	v1 =	vld [tilespmem:$0x400]  }
0x52: {  	v2 =	vld [tilespmem:$0x600]  }
0x53: {  	v3 =	vld [tilespmem:$0x800]  }
0x54: {  	v4 =	vld [tilespmem:$0x410]  }
0x55: {  	v5 =	vld [tilespmem:$0x610]  }
0x56: {  	v6 =	vld [tilespmem:$0x810]  }
0x57: {  	v7 =	vld [tilespmem:$0x420]  }
0x58: {  	v8 =	vld [tilespmem:$0x620]  }
0x59: {  	v9 =	vld [tilespmem:$0x820]  }
0x5a: {  	v10 =	vld [tilespmem:$0x430]  }
0x5b: {  	v11 =	vld [tilespmem:$0x630]  }
0x5c: {  	v12 =	vld [tilespmem:$0x830]  }
0x5d: {  	v13 =	vld [tilespmem:$0x440]  }
0x5e: {  	v14 =	vld [tilespmem:$0x640]  }
0x5f: {  	v15 =	vld [tilespmem:$0x840]  }
0x60: {  	v16 =	vld [tilespmem:$0x450]  }
0x61: {  	v17 =	vld [tilespmem:$0x650]  }
0x62: {  	v18 =	vld [tilespmem:$0x850]  }
0x63: {  	v19 =	vld [tilespmem:$0x460]  }
0x64: {  	v20 =	vld [tilespmem:$0x660]  }
0x65: {  	v21 =	vld [tilespmem:$0x860]  }
0x66: {  	v22 =	vld [tilespmem:$0x470]  }
0x67: {  	v23 =	vld [tilespmem:$0x670]  }
0x68: {  	v24 =	vld [tilespmem:$0x870]  }
0x69: {  	v38 =	vld [tilespmem:$0x480]  }
0x6a: {  	v40 =	vld [tilespmem:$0x680]  }
0x6b: {  	v41 =	vld [tilespmem:$0x880]  }
0x6c: {  	v43 =	vld [tilespmem:$0x490]  }
0x6d: {  	v44 =	vld [tilespmem:$0x690]  }
0x6e: {  	v45 =	vld [tilespmem:$0x890]  }
0x6f: {  	v47 =	vld [tilespmem:$0x4A0]  }
0x70: {  	v50 =	vld [tilespmem:$0x6A0]  }
0x71: {  	v52 =	vld [tilespmem:$0x8A0]  }
0x72: {  	v53 =	vld [tilespmem:$0x4B0]  }
0x73: {  	v54 =	vld [tilespmem:$0x6B0]  }
0x74: {  	v56 =	vld [tilespmem:$0x8B0];
	v1 =	vadd.f32 v1, v0  }
0x75: {  	v59 =	vld [tilespmem:$0x4C0];
	v4 =	vadd.f32 v4, v0;
	v39 =	vadd.f32 v7, v0  }
0x76: {  	v61 =	vld [tilespmem:$0x6C0];
	v42 =	vadd.f32 v10, v0;
	v46 =	vadd.f32 v13, v0  }
0x77: {  	v62 =	vld [tilespmem:$0x8C0];
	v51 =	vadd.f32 v16, v0;
	v55 =	vadd.f32 v19, v0  }
0x78: {  	v63 =	vld [tilespmem:$0x4D0];
	v1 =	vadd.f32 v2, v1;
	v37 =	vadd.f32 v5, v4  }
0x79: {  	v25 =	vld [tilespmem:$0x6D0];
	v60 =	vadd.f32 v22, v0;
	v5 =	vadd.f32 v8, v39  }
0x7a: {  	v28 =	vld [tilespmem:$0x8D0];
	v1 =	vsub.f32 v1, v3;
	v2 =	vsub.f32 v37, v6  }
0x7b: {  	v30 =	vld [tilespmem:$0x4E0];
	v29 =	vadd.f32 v43, v0;
	v5 =	vsub.f32 v5, v9  }
0x7c: {  	v31 =	vld [tilespmem:$0x6E0];
	v6 =	vadd.f32 v11, v42;
	v1 =	vmul.f32 v1, v1;
	v2 =	vmul.f32 v2, v2  }
0x7d: {  	v33 =	vld [tilespmem:$0x8E0];
	v34 =	vadd.f32 v47, v0;
	v11 =	vadd.f32 v14, v46  }
0x7e: {  	v35 =	vld [tilespmem:$0x4F0];
	v48 =	vmul.f32 v5, v5;
	v49 =	vsub.f32 v6, v12;
	v1 =	vadd.f32 v2, v1  }
0x7f: {  	v36 =	vld [tilespmem:$0x6F0];
	v43 =	vadd.f32 v63, v0;
	v11 =	vsub.f32 v11, v15  }
0x80: {  	v47 =	vld [tilespmem:$0x520];
	v12 =	vadd.f32 v17, v51;
	v5 =	vmul.f32 v49, v49;
	v1 =	vadd.f32 v48, v1  }
0x81: {  	v63 =	vld [tilespmem:$0x750];
	v16 =	vadd.f32 v20, v55;
	v4 =	vadd.f32 v38, v0  }
0x82: {  	v22 =	vld [tilespmem:$0x560];
	v57 =	vmul.f32 v11, v11;
	v58 =	vsub.f32 v12, v18;
	v1 =	vadd.f32 v5, v1  }
0x83: {  	v32 =	vadd.f32 v44, v29;
	v38 =	vld [tilespmem:$0x500];
	v16 =	vsub.f32 v16, v21  }
0x84: {  	v39 =	vld [tilespmem:$0x700];
	v18 =	vadd.f32 v23, v60;
	v11 =	vmul.f32 v58, v58;
	v1 =	vadd.f32 v57, v1  }
0x85: {  	v44 =	vld [tilespmem:$0x710];
	v8 =	vadd.f32 v30, v0;
	v4 =	vadd.f32 v40, v4  }
0x86: {  	v29 =	vld [tilespmem:$0x970];
	v26 =	vmul.f32 v16, v16;
	v27 =	vsub.f32 v18, v24;
	v1 =	vadd.f32 v11, v1  }
0x87: {  	v30 =	vld [tilespmem:$0x580];
	v46 =	vadd.f32 v25, v43;
	v8 =	vadd.f32 v31, v8  }
0x88: {  	v37 =	vld [tilespmem:$0x8F0];
	v3 =	vsub.f32 v4, v41;
	v16 =	vmul.f32 v27, v27;
	v1 =	vadd.f32 v26, v1  }
0x89: {  	v40 =	vld [tilespmem:$0x900];
	v4 =	vsub.f32 v32, v45;
	v6 =	vadd.f32 v50, v34  }
0x8a: {  	v42 =	vld [tilespmem:$0x510];
	v3 =	vmul.f32 v3, v3;
	v2 =	vadd.f32 v53, v0;
	v1 =	vadd.f32 v16, v1  }
0x8b: {  	v21 =	vld [tilespmem:$0x950];
	v6 =	vsub.f32 v6, v52;
	v12 =	vadd.f32 v59, v0  }
0x8c: {  	v25 =	vld [tilespmem:$0x960];
	v4 =	vmul.f32 v4, v4;
	v2 =	vadd.f32 v54, v2;
	v1 =	vadd.f32 v3, v1  }
0x8d: {  	v31 =	vld [tilespmem:$0x780];
	v20 =	vadd.f32 v47, v0;
	v12 =	vadd.f32 v61, v12  }
0x8e: {  	v47 =	vld [tilespmem:$0x7C0];
	v41 =	vmul.f32 v6, v6;
	v2 =	vsub.f32 v2, v56;
	v1 =	vadd.f32 v4, v1  }
0x8f: {  	v45 =	vld [tilespmem:$0x910]  }
0x90: {  	v51 =	vld [tilespmem:$0x920];
	v5 =	vsub.f32 v12, v62;
	v2 =	vmul.f32 v2, v2;
	v1 =	vadd.f32 v41, v1  }
0x91: {  	v50 =	vsub.f32 v46, v28;
	v32 =	vld [tilespmem:$0x980];
	v52 =	vadd.f32 v35, v0  }
0x92: {  	v7 =	vsub.f32 v8, v33;
	v33 =	vld [tilespmem:$0x590];
	v49 =	vmul.f32 v5, v5;
	v1 =	vadd.f32 v2, v1  }
0x93: {  	v53 =	vld [tilespmem:$0x530];
	v55 =	vadd.f32 v36, v52  }
0x94: {  	v48 =	vld [tilespmem:$0x720];
	v5 =	vmul.f32 v50, v50;
	v3 =	vadd.f32 v38, v0;
	v1 =	vadd.f32 v49, v1  }
0x95: {  	v54 =	vld [tilespmem:$0x730];
	v6 =	vadd.f32 v42, v0;
	v59 =	vsub.f32 v55, v37  }
0x96: {  	v58 =	vmul.f32 v7, v7;
	v57 =	vld [tilespmem:$0x540];
	v3 =	vadd.f32 v39, v3;
	v1 =	vadd.f32 v5, v1  }
0x97: {  	v60 =	vld [tilespmem:$0x740];
	v6 =	vadd.f32 v44, v6  }
0x98: {  	v56 =	vld [tilespmem:$0x930];
	v7 =	vmul.f32 v59, v59;
	v3 =	vsub.f32 v3, v40;
	v1 =	vadd.f32 v58, v1  }
0x99: {  	v62 =	vld [tilespmem:$0x550];
	v13 =	vadd.f32 v53, v0;
	v23 =	vadd.f32 v48, v20  }
0x9a: {  	v61 =	vld [tilespmem:$0x940];
	v4 =	vsub.f32 v6, v45;
	v3 =	vmul.f32 v3, v3;
	v1 =	vadd.f32 v7, v1  }
0x9b: {  	v24 =	vld [tilespmem:$0x760];
	v11 =	vadd.f32 v57, v0;
	v2 =	vadd.f32 v54, v13  }
0x9c: {  	v26 =	vld [tilespmem:$0x570];
	v4 =	vmul.f32 v4, v4;
	v7 =	vsub.f32 v23, v51;
	v1 =	vadd.f32 v3, v1  }
0x9d: {  	v46 =	vld [tilespmem:$0x5C0];
	v8 =	vadd.f32 v60, v11;
	v2 =	vsub.f32 v2, v56  }
0x9e: {  	v27 =	vld [tilespmem:$0x770];
	v5 =	vadd.f32 v62, v0;
	v28 =	vmul.f32 v7, v7;
	v1 =	vadd.f32 v4, v1  }
0x9f: {  	v35 =	vld [tilespmem:$0x790];
	v8 =	vsub.f32 v8, v61;
	v6 =	vadd.f32 v22, v0  }
0xa0: {  	v36 =	vld [tilespmem:$0x990];
	v2 =	vmul.f32 v2, v2;
	v5 =	vadd.f32 v63, v5;
	v1 =	vadd.f32 v28, v1  }
0xa1: {  	v42 =	vld [tilespmem:$0x5B0];
	v12 =	vadd.f32 v26, v0;
	v6 =	vadd.f32 v24, v6  }
0xa2: {  	v52 =	vld [tilespmem:$0x9D0];
	v34 =	vmul.f32 v8, v8;
	v5 =	vsub.f32 v5, v21;
	v1 =	vadd.f32 v2, v1  }
0xa3: {  	v9 =	vadd.f32 v30, v0;
	v37 =	vld [tilespmem:$0x5A0];
	v38 =	vadd.f32 v27, v12  }
0xa4: {  	v44 =	vld [tilespmem:$0x7B0];
	v5 =	vmul.f32 v5, v5;
	v3 =	vsub.f32 v6, v25;
	v1 =	vadd.f32 v34, v1  }
0xa5: {  	v43 =	vadd.f32 v33, v0;
	v39 =	vld [tilespmem:$0x7A0];
	v4 =	vadd.f32 v31, v9  }
0xa6: {  	v53 =	vld [tilespmem:$0x5E0];
	v41 =	vsub.f32 v38, v29;
	v3 =	vmul.f32 v3, v3;
	v1 =	vadd.f32 v5, v1  }
0xa7: {  	v40 =	vld [tilespmem:$0x9A0];
	v7 =	vadd.f32 v35, v43;
	v4 =	vsub.f32 v4, v32  }
0xa8: {  	v50 =	vld [tilespmem:$0x5D0];
	v2 =	vadd.f32 v37, v0;
	v5 =	vmul.f32 v41, v41;
	v1 =	vadd.f32 v3, v1  }
0xa9: {  	v45 =	vld [tilespmem:$0x9B0];
	v6 =	vadd.f32 v42, v0;
	v48 =	vsub.f32 v7, v36  }
0xaa: {  	v51 =	vld [tilespmem:$0x7D0];
	v4 =	vmul.f32 v4, v4;
	v2 =	vadd.f32 v39, v2;
	v1 =	vadd.f32 v5, v1  }
0xab: {  	v8 =	vadd.f32 v46, v0;
	v49 =	vld [tilespmem:$0x9C0];
	v6 =	vadd.f32 v44, v6  }
0xac: {  	v57 =	vld [tilespmem:$0x5F0];
	v2 =	vsub.f32 v2, v40;
	v5 =	vmul.f32 v48, v48;
	v1 =	vadd.f32 v4, v1  }
0xad: {  	v55 =	vadd.f32 v47, v8;
	v54 =	vld [tilespmem:$0x7E0];
	v56 =	vadd.f32 v50, v0  }
0xae: {  	v59 =	vld [tilespmem:$0x7F0];
	v2 =	vmul.f32 v2, v2;
	v3 =	vsub.f32 v6, v45;
	v1 =	vadd.f32 v5, v1  }
0xaf: {  	v60 =	vadd.f32 v53, v0;
	v58 =	vld [tilespmem:$0x9E0];
	v4 =	vadd.f32 v51, v56  }
0xb0: {  	v6 =	vsub.f32 v55, v49;
	v3 =	vmul.f32 v3, v3;
	v1 =	vadd.f32 v2, v1  }
0xb1: {  	v62 =	vld [tilespmem:$0x9F0];
	v0 =	vadd.f32 v57, v0;
	v4 =	vsub.f32 v4, v52  }
0xb2: {  	v61 =	vmul.f32 v6, v6;
	v5 =	vadd.f32 v54, v60;
	v1 =	vadd.f32 v3, v1  }
0xb3: {  	v0 =	vadd.f32 v59, v0  }
0xb4: {  	v2 =	vsub.f32 v5, v58;
	v63 =	vmul.f32 v4, v4;
	v1 =	vadd.f32 v61, v1;
	_ =	sdelay $0x1  }
0xb5: {  	v0 =	vsub.f32 v0, v62;
	v2 =	vmul.f32 v2, v2;
	v1 =	vadd.f32 v63, v1;
	_ =	sdelay $0x1  }
0xb6: {  	v0 =	vmul.f32 v0, v0;
	v1 =	vadd.f32 v2, v1;
	_ =	sdelay $0x1  }
0xb7: {  	v0 =	vadd.f32 v0, v1;
	_ =	sdelay $0x1  }
0xb8: {  	v0 =	vmul.f32 $3.051757810e-05, v0  }
0xb9: {  	p0 =	sne.s32 s9, $0x1  }
.Ltmp0:
0xba: {  	[tilespmem:$0xA80] =	vst v0;
	(pc) =	sbr.rel @p0 .LBB2_1-.Ltmp0, $4  }
0xbb: {  	[hbm4b:s8+s4] =	stream.linear.scatter [tilespmem:s31], [sflag:$0x4], $0x10, $0x38;
	[tilespmem:$0xB00] =	vst v63  }
0xbc: {  	_ =	swait.ge [sflag:s0], $0x10  }
0xbd: {  	[sflag:s0] =	ssyncset.done $0x0  }
0xbe: {  	s9 =	sadd.s32 $0xFFFFFFFF, s9;
	[sflag:s0] =	ssyncadd.s32 $0xFFFFFFF0  }
0xbf: {  	_ =	sfence.sel $0x180000  }
0xc0: {  	[bflag:$0x0] =	sbarrier.arrive $0xFFFF  }
0xc1: {  	_ =	strace $0x90000047  }
0xc2: {  	s0 =	stileid.u32;
	[bflag:$0x2] =	sbarrier.arrive $0xFFFF  }
0xc3: {  	p0 =	sne.s32 s0, $0x0;
	s0 =	rddreg [dreg:$0x7]  }
0xc4: {  	s0 =	sadd.s32 @!p0 $0x100000, s0  }
0xc5: {  	[sflag:s0] =	ssyncadd.tile.s32 @!p0 $0x1;
	_ =	shalt  }
.Lfunc_end2:
_tile_overlayer_lowered:
.L_overlay_start_2:
0xc6: {  	(tag) =	ssettag $0x2  }
0xc7: {  	s0 =	rddreg [dreg:$0x0];
	s2 =	stileid.u32  }
0xc8: {  	s1 =	rddreg [dreg:$0x1];
	p0 =	sne.s32 s2, $0x0  }
0xc9: {  	s3 =	rddreg [dreg:$0x2];
	[bflag:$0x3] =	sbarrier.arrive $0xFFFF;
	s2 =	simm.s32 @!p0 $0x1C04  }
0xca: {  	[timem:s3], [sflag:s2] =	dma.local @!p0 [hbm:s0], s1  }
0xcb: {  	s0 =	simm.s32 @!p0 $0x4  }
0xcc: {  	_ =	swait.ge @!p0 [sflag:s0], s1  }
0xcd: {  	s1 =	ssub.s32 @!p0 $0x0, s1;
	[sflag:s0] =	ssyncset.done @!p0 $0x0  }
0xce: {  	[sflag:s0] =	ssyncadd.s32 @!p0 s1  }
0xcf: {  	[bflag:$0x3] =	sbarrier.arrive $0xFFFF  }
0xd0: {  	_ =	shalt  }

</sc_bundles>
